<compile_context>
chip_gen: v7x
topology: tpu7x:2x2x1
jax: 0.10.2.dev20260603
libtpu: 0.0.44.dev20260713+nightly
codegen_flags: <defaults>
</compile_context>

<pallas_src>
import functools

import numpy as np

import jax
import jax.numpy as jnp
from jax import lax
from jax.experimental import pallas as pl
from jax.experimental.pallas import tpu as pltpu
from jax.experimental.pallas import tpu_sc as plsc

_SCALES = (128.0, 256.0, 512.0)
_RATIOS = (0.5, 1.0, 2.0)
_TOPK = 1000
_NMS_THR = 0.7
_OUT_N = 100


def _conv_head_kernel(x_ref, w_ref, cb_ref, wh_ref, bh_ref, out_ref, acc_ref):
    k = pl.program_id(0)
    part = jnp.dot(x_ref[0], w_ref[0], preferred_element_type=jnp.float32)

    @pl.when(k == 0)
    def _():
        acc_ref[...] = part

    @pl.when(k > 0)
    def _():
        acc_ref[...] = acc_ref[...] + part

    @pl.when(k == pl.num_programs(0) - 1)
    def _():
        h = jnp.maximum(acc_ref[...] + cb_ref[...], 0.0)
        out_ref[...] = jnp.dot(h, wh_ref[...], preferred_element_type=jnp.float32) + bh_ref[...]


def _stage_conv_heads(x9, w9, conv_b, whead, bhead, n, c):
    return pl.pallas_call(
        _conv_head_kernel,
        grid=(9,),
        in_specs=[
            pl.BlockSpec((1, n, c), lambda k: (k, 0, 0)),
            pl.BlockSpec((1, c, c), lambda k: (k, 0, 0)),
            pl.BlockSpec((1, c), lambda k: (0, 0)),
            pl.BlockSpec((c, 64), lambda k: (0, 0)),
            pl.BlockSpec((1, 64), lambda k: (0, 0)),
        ],
        out_specs=pl.BlockSpec((n, 64), lambda k: (0, 0)),
        out_shape=jax.ShapeDtypeStruct((n, 64), jnp.float32),
        scratch_shapes=[pltpu.VMEM((n, c), jnp.float32)],
    )(x9, w9, conv_b, whead, bhead)


_CAP = 1280
_IMIN = -2147483648


def _sortable_i32(s):
    b = lax.bitcast_convert_type(s, jnp.int32)
    return jnp.where(b >= 0, b, -(b & 0x7FFFFFFF))


def _select_kernel(scol_ref, srow_ref, crow_ref, run_ref, *, na):
    i = pl.program_id(0)

    @pl.when(i == 0)
    def _():
        krow = _sortable_i32(srow_ref[...])

        def bis(b, cur):
            cand = cur | (1 << (31 - b))
            kc = cand ^ _IMIN
            cnt = jnp.sum((krow >= kc).astype(jnp.float32))
            return jnp.where(cnt >= 1024.0, cand, cur)

        biased = lax.fori_loop(0, 32, bis, jnp.int32(0))
        run_ref[0] = biased ^ _IMIN
        run_ref[1] = 0
        crow_ref[...] = jnp.zeros((8, _CAP), jnp.float32)

    tau = run_ref[0]
    run = run_ref[1]
    scol = scol_ref[...]
    kcol = _sortable_i32(scol)
    mask = kcol >= tau
    maskf = mask.astype(jnp.float32)
    rr = lax.broadcasted_iota(jnp.int32, (128, 128), 0)
    cc = lax.broadcasted_iota(jnp.int32, (128, 128), 1)
    ltri = jnp.where(cc <= rr, 1.0, 0.0)
    cum = lax.dot_general(
        ltri, maskf, (((1,), (0,)), ((), ())), preferred_element_type=jnp.float32
    )
    pos = jnp.where(mask, run + cum.astype(jnp.int32) - 1, -1)
    slot = lax.broadcasted_iota(jnp.int32, (128, _CAP), 1)
    oh = jnp.where(pos == slot, 1.0, 0.0)
    iidx = (i * 128 + lax.broadcasted_iota(jnp.int32, (128, 1), 0)).astype(jnp.float32)
    vals = jnp.concatenate(
        [scol, iidx, jnp.zeros((128, 6), jnp.float32)], axis=1
    )
    contrib = lax.dot_general(
        vals, oh, (((0,), (0,)), ((), ())), preferred_element_type=jnp.float32
    )
    crow_ref[...] = crow_ref[...] + contrib
    run_ref[1] = run + jnp.sum(maskf).astype(jnp.int32)

    @pl.when(i == pl.num_programs(0) - 1)
    def _():
        slotr = lax.broadcasted_iota(jnp.int32, (1, _CAP), 1)
        crow_ref[0:1, :] = jnp.where(
            slotr < run_ref[1], crow_ref[0:1, :], jnp.float32(-jnp.inf)
        )


def _rank_kernel(ct_ref, crow_ref, perm_ref, pacc_ref):
    i = pl.program_id(0)
    blk = ct_ref[pl.ds(i * 128, 128), :]
    ki = _sortable_i32(blk[:, 0:1])
    iidx = blk[:, 1:2].astype(jnp.int32)
    krow = _sortable_i32(crow_ref[0:1, :])
    jidx = crow_ref[1:2, :].astype(jnp.int32)
    rhs = ki - jnp.where(jidx < iidx, 1, 0)
    ahead = krow > rhs
    cnt = jnp.sum(ahead.astype(jnp.float32), axis=1, keepdims=True)
    rank = cnt.astype(jnp.int32)

    pos = lax.broadcasted_iota(jnp.int32, (1, 1024), 1)
    contrib = jnp.where(rank == pos, blk[:, 1:2], 0.0)
    contrib = jnp.sum(contrib, axis=0, keepdims=True)

    @pl.when(i == 0)
    def _():
        pacc_ref[...] = contrib

    @pl.when(i > 0)
    def _():
        pacc_ref[...] = pacc_ref[...] + contrib

    @pl.when(i == pl.num_programs(0) - 1)
    def _():
        perm_ref[...] = pacc_ref[...].astype(jnp.int32)


def _stage_rank(logits, na):
    nblk = na // 128
    s_col = logits.reshape(na, 1)
    s_row = logits.reshape(1, na)
    crow = pl.pallas_call(
        functools.partial(_select_kernel, na=na),
        grid=(nblk,),
        in_specs=[
            pl.BlockSpec((128, 1), lambda i: (i, 0)),
            pl.BlockSpec((1, na), lambda i: (0, 0)),
        ],
        out_specs=pl.BlockSpec((8, _CAP), lambda i: (0, 0)),
        out_shape=jax.ShapeDtypeStruct((8, _CAP), jnp.float32),
        scratch_shapes=[pltpu.SMEM((2,), jnp.int32)],
    )(s_col, s_row)
    ct = crow.T
    perm = pl.pallas_call(
        _rank_kernel,
        grid=(_CAP // 128,),
        in_specs=[
            pl.BlockSpec((_CAP, 8), lambda i: (0, 0)),
            pl.BlockSpec((8, _CAP), lambda i: (0, 0)),
        ],
        out_specs=pl.BlockSpec((1, 1024), lambda i: (0, 0)),
        out_shape=jax.ShapeDtypeStruct((1, 1024), jnp.int32),
        scratch_shapes=[pltpu.VMEM((1, 1024), jnp.float32)],
    )(ct, crow)
    return perm.reshape(1024)


def _sc_gather(table, perm):
    nw = 32
    rpt = 1024 // nw

    mesh = plsc.VectorSubcoreMesh(core_axis_name="c", subcore_axis_name="s")

    @functools.partial(
        pl.kernel,
        mesh=mesh,
        out_type=jax.ShapeDtypeStruct((1024, 128), jnp.float32),
        scratch_types=[
            pltpu.VMEM((rpt,), jnp.int32),
            pltpu.VMEM((rpt, 128), jnp.float32),
            pltpu.SemaphoreType.DMA,
        ],
    )
    def sc_kernel(table_hbm, perm_hbm, out_hbm, idx_v, rows_v, sem):
        wid = lax.axis_index("s") * 2 + lax.axis_index("c")
        base = wid * rpt
        pltpu.sync_copy(perm_hbm.at[pl.ds(base, rpt)], idx_v)
        pltpu.async_copy(table_hbm.at[idx_v], rows_v, sem).wait()
        pltpu.sync_copy(rows_v, out_hbm.at[pl.ds(base, rpt)])

    return sc_kernel(table, perm)


def _decode5(cols, img_h, img_w):
    dx, dy, dw, dh, cx, cy, wa, ha, lg = cols
    pcx = dx * wa + cx
    pcy = dy * ha + cy
    pw2 = jnp.exp(dw) * wa * 0.5
    ph2 = jnp.exp(dh) * ha * 0.5
    x1 = jnp.clip(pcx - pw2, 0.0, img_w)
    y1 = jnp.clip(pcy - ph2, 0.0, img_h)
    x2 = jnp.clip(pcx + pw2, 0.0, img_w)
    y2 = jnp.clip(pcy + ph2, 0.0, img_h)
    sc = 1.0 / (1.0 + jnp.exp(-lg))
    return x1, y1, x2, y2, sc


def _nms_kernel(rows_ref, rowst_ref, out_ref, s_ref, *, topk, img_h, img_w):
    ib = pl.program_id(0)
    blk = rows_ref[pl.ds(ib * 128, 128), :]
    x1c, y1c, x2c, y2c, _ = _decode5(
        tuple(blk[:, c:c + 1] for c in range(9)), img_h, img_w
    )
    x1r, y1r, x2r, y2r, _ = _decode5(
        tuple(rowst_ref[c:c + 1, :] for c in range(9)), img_h, img_w
    )
    areac = (x2c - x1c) * (y2c - y1c)
    arear = (x2r - x1r) * (y2r - y1r)
    iw = jnp.maximum(jnp.minimum(x2c, x2r) - jnp.maximum(x1c, x1r), 0.0)
    ih = jnp.maximum(jnp.minimum(y2c, y2r) - jnp.maximum(y1c, y1r), 0.0)
    inter = iw * ih
    iou = inter / (areac + arear - inter + 1e-9)
    iidx = ib * 128 + lax.broadcasted_iota(jnp.int32, (128, 1), 0)
    jidx = lax.broadcasted_iota(jnp.int32, (1, 1024), 1)
    sup_ok = (iou > _NMS_THR) & (jidx > iidx) & (iidx < topk) & (jidx < topk)
    s_ref[pl.ds(ib * 128, 128), :] = jnp.where(sup_ok, 1.0, 0.0)

    @pl.when(ib == pl.num_programs(0) - 1)
    def _():
        smat = s_ref[...]
        validj = jnp.where(jidx < topk, 1.0, 0.0)

        def cond(st):
            return st[1]

        def body(st):
            k = st[0]
            supc = lax.dot_general(
                k, smat, (((1,), (0,)), ((), ())), preferred_element_type=jnp.float32
            )
            knew = jnp.where(supc > 0.0, 0.0, validj)
            return knew, jnp.any(knew != k)

        keep, _ = lax.while_loop(cond, body, (validj, jnp.bool_(True)))

        ii = lax.broadcasted_iota(jnp.int32, (1024, 1024), 0)
        jj = lax.broadcasted_iota(jnp.int32, (1024, 1024), 1)
        ltri = jnp.where(ii <= jj, 1.0, 0.0)
        csk = lax.dot_general(
            keep, ltri, (((1,), (0,)), ((), ())), preferred_element_type=jnp.float32
        )
        notk = validj * (1.0 - keep)
        csn = lax.dot_general(
            notk, ltri, (((1,), (0,)), ((), ())), preferred_element_type=jnp.float32
        )
        nkept = jnp.sum(keep)
        pos = jnp.where(keep > 0.0, csk - 1.0, nkept + csn - 1.0)
        posi = pos.astype(jnp.int32)
        cc = lax.broadcasted_iota(jnp.int32, (128, 1024), 0)
        phot = jnp.where((posi == cc) & (validj > 0.0), 1.0, 0.0)
        x1f, y1f, x2f, y2f, scf = _decode5(
            tuple(rows_ref[:, c:c + 1] for c in range(9)), img_h, img_w
        )
        z = x1f * 0.0
        clean = jnp.concatenate([x1f, y1f, x2f, y2f, scf, z, z, z], axis=1)
        out_ref[...] = lax.dot_general(
            phot, clean, (((1,), (0,)), ((), ())), preferred_element_type=jnp.float32
        )


def _stage_nms(rows, img_h, img_w):
    rowst = rows[:, :9].T
    return pl.pallas_call(
        functools.partial(_nms_kernel, topk=_TOPK, img_h=img_h, img_w=img_w),
        grid=(8,),
        in_specs=[
            pl.BlockSpec((1024, 128), lambda i: (0, 0)),
            pl.BlockSpec((9, 1024), lambda i: (0, 0)),
        ],
        out_specs=pl.BlockSpec((128, 8), lambda i: (0, 0)),
        out_shape=jax.ShapeDtypeStruct((128, 8), jnp.float32),
        scratch_shapes=[pltpu.VMEM((1024, 1024), jnp.float32)],
    )(rows, rowst)


def _anchor_consts(h, w, stride):
    scales = np.asarray(_SCALES, np.float64)
    ratios = np.asarray(_RATIOS, np.float64)
    hs = (scales[:, None] * np.sqrt(ratios)[None, :]).reshape(-1)
    ws = (scales[:, None] / np.sqrt(ratios)[None, :]).reshape(-1)
    n = h * w
    p = np.arange(n)
    yy = p // w
    xx = p % w
    cx = ((xx + 0.5) * stride)[:, None] * np.ones((1, 9))
    cy = ((yy + 0.5) * stride)[:, None] * np.ones((1, 9))
    wa = np.ones((n, 1)) * ws[None, :]
    ha = np.ones((n, 1)) * hs[None, :]
    return np.stack([cx, cy, wa, ha]).reshape(4, n * 9).astype(np.float32)


def kernel(image, feat, conv_w, conv_b, cls_w, cls_b, bbox_w, bbox_b):
    img_h = float(image.shape[2])
    img_w = float(image.shape[3])
    c = feat.shape[1]
    h, w = feat.shape[2], feat.shape[3]
    n = h * w
    na = n * 9
    stride = img_h / h

    featp = jnp.pad(feat[0], ((0, 0), (1, 1), (1, 1)))
    xs = jnp.stack(
        [featp[:, dy:dy + h, dx:dx + w].reshape(c, n) for dy in range(3) for dx in range(3)]
    )
    x9 = xs.transpose(0, 2, 1)
    w9 = conv_w.transpose(2, 3, 1, 0).reshape(9, c, c)
    whead = jnp.concatenate(
        [cls_w.T, bbox_w.T, jnp.zeros((c, 64 - 45), jnp.float32)], axis=1
    )
    bhead = jnp.concatenate(
        [cls_b, bbox_b, jnp.zeros((64 - 45,), jnp.float32)]
    ).reshape(1, 64)

    head_out = _stage_conv_heads(x9, w9, conv_b.reshape(1, c), whead, bhead, n, c)
    logits = head_out[:, :9].reshape(na)
    d4 = head_out[:, 9:45].reshape(n, 9, 4).reshape(na, 4)

    perm = _stage_rank(logits, na)

    anch_t = jnp.asarray(_anchor_consts(h, w, stride).T)
    table = jnp.pad(
        jnp.concatenate([d4, anch_t, logits.reshape(na, 1)], axis=1),
        ((0, 0), (0, 119)),
    )
    rows = _sc_gather(table, perm)

    sel = _stage_nms(rows, img_h, img_w)
    return sel[:_OUT_N, 0:4], sel[:_OUT_N, 4]

# --- scband reference (transcript-rebuilt; emitter-appended) ---
"""Pipeline reference for scband-region-proposal-network-66357244723882 (READ-ONLY COPY).

The authoritative reference and input builder live on the scoring server;
editing this copy changes nothing except your own understanding.
"""

import jax, jax.numpy as jnp
import numpy as np

SCALES = [128.0, 256.0, 512.0]
RATIOS = [0.5, 1.0, 2.0]


def _gen_anchors(H, W, stride):
    scales = jnp.array(SCALES, dtype=jnp.float32)
    ratios = jnp.array(RATIOS, dtype=jnp.float32)
    hs = (scales[:, None] * jnp.sqrt(ratios)[None, :]).reshape(-1)
    ws = (scales[:, None] / jnp.sqrt(ratios)[None, :]).reshape(-1)
    base = jnp.stack([-ws / 2.0, -hs / 2.0, ws / 2.0, hs / 2.0], axis=1)
    sx = (jnp.arange(W, dtype=jnp.float32) + 0.5) * stride
    sy = (jnp.arange(H, dtype=jnp.float32) + 0.5) * stride
    shift_x, shift_y = jnp.meshgrid(sx, sy, indexing='xy')
    shifts = jnp.stack([shift_x.ravel(), shift_y.ravel(), shift_x.ravel(), shift_y.ravel()], axis=1)
    return (shifts[:, None, :] + base[None, :, :]).reshape(-1, 4)


def _decode(anchors, deltas):
    widths = anchors[:, 2] - anchors[:, 0]
    heights = anchors[:, 3] - anchors[:, 1]
    ctr_x = anchors[:, 0] + 0.5 * widths
    ctr_y = anchors[:, 1] + 0.5 * heights
    dx, dy, dw, dh = deltas[:, 0], deltas[:, 1], deltas[:, 2], deltas[:, 3]
    pred_ctr_x = dx * widths + ctr_x
    pred_ctr_y = dy * heights + ctr_y
    pred_w = jnp.exp(dw) * widths
    pred_h = jnp.exp(dh) * heights
    return jnp.stack([pred_ctr_x - 0.5 * pred_w, pred_ctr_y - 0.5 * pred_h,
                      pred_ctr_x + 0.5 * pred_w, pred_ctr_y + 0.5 * pred_h], axis=1)


def _clamp(boxes, img_h, img_w):
    x1 = jnp.clip(boxes[:, 0], 0.0, img_w)
    y1 = jnp.clip(boxes[:, 1], 0.0, img_h)
    x2 = jnp.clip(boxes[:, 2], 0.0, img_w)
    y2 = jnp.clip(boxes[:, 3], 0.0, img_h)
    return jnp.stack([x1, y1, x2, y2], axis=1)


def _nms_keep(boxes, scores, iou_thr):
    order = jnp.argsort(-scores)
    b = boxes[order]
    n = b.shape[0]
    area = (b[:, 2] - b[:, 0]) * (b[:, 3] - b[:, 1])
    idx = jnp.arange(n)
    keep = jnp.ones((n,), dtype=bool)
    for i in range(n):
        lt = jnp.maximum(b[i, :2], b[:, :2])
        rb = jnp.minimum(b[i, 2:], b[:, 2:])
        wh = jnp.clip(rb - lt, 0.0)
        inter = wh[:, 0] * wh[:, 1]
        iou = inter / (area[i] + area - inter + 1e-9)
        suppress = (iou > iou_thr) & (idx > i) & keep[i]
        keep = keep & (~suppress)
    return order, keep


def _forward(image, feat, conv_w, conv_b, cls_w, cls_b, bbox_w, bbox_b):
    img_h = float(image.shape[2])
    img_w = float(image.shape[3])
    H, W = feat.shape[2], feat.shape[3]
    stride = img_h / H
    rpn = jax.lax.conv_general_dilated(feat, conv_w, (1, 1), 'SAME',
                                       dimension_numbers=('NCHW', 'OIHW', 'NCHW'))
    rpn = jax.nn.relu(rpn + conv_b[None, :, None, None])
    cls = jnp.einsum('nchw,oc->nohw', rpn, cls_w) + cls_b[None, :, None, None]
    reg = jnp.einsum('nchw,oc->nohw', rpn, bbox_w) + bbox_b[None, :, None, None]
    cls_logits = jnp.transpose(cls, (0, 2, 3, 1)).reshape(-1)
    deltas = jnp.transpose(reg, (0, 2, 3, 1)).reshape(-1, 4)
    anchors = _gen_anchors(H, W, stride)
    proposals = _decode(anchors, deltas)
    scores = jax.nn.sigmoid(cls_logits)
    top_s, top_idx = jax.lax.top_k(scores, 1000)
    props = proposals[top_idx]
    props = _clamp(props, img_h, img_w)
    order, keep = _nms_keep(props, top_s, 0.7)
    p_sorted = props[order]
    s_sorted = top_s[order]
    masked = jnp.where(keep, s_sorted, -1.0)
    final_idx = jnp.argsort(-masked)[:100]
    return p_sorted[final_idx], s_sorted[final_idx]


def setup_inputs(seed: int = 0) -> dict:
    key = jax.random.key(seed)
    ks = jax.random.split(key, 8)
    C = 512
    A = 9
    image = jax.random.normal(ks[0], (1, 3, 512, 512), dtype=jnp.float32)
    feat = jax.random.normal(ks[1], (1, C, 32, 32), dtype=jnp.float32)
    conv_w = jax.random.normal(ks[2], (C, C, 3, 3), dtype=jnp.float32) * 0.01
    conv_b = jnp.zeros((C,), dtype=jnp.float32)
    cls_w = jax.random.normal(ks[3], (A, C), dtype=jnp.float32) * 0.01
    cls_b = jnp.zeros((A,), dtype=jnp.float32)
    bbox_w = jax.random.normal(ks[4], (A * 4, C), dtype=jnp.float32) * 0.01
    bbox_b = jnp.zeros((A * 4,), dtype=jnp.float32)
    return {"image": image, "feat": feat, "conv_w": conv_w, "conv_b": conv_b,
            "cls_w": cls_w, "cls_b": cls_b, "bbox_w": bbox_w, "bbox_b": bbox_b}


def reference(image, feat, conv_w, conv_b, cls_w, cls_b, bbox_w, bbox_b):
    return _forward(image, feat, conv_w, conv_b, cls_w, cls_b, bbox_w, bbox_b)

if __name__ == "__main__":
    import jax
    _d = setup_inputs()
    print(jax.jit(kernel)(*tuple(_d.values())))

</pallas_src>

<mosaic_0001>
#map = affine_map<(d0, d1) -> (0, 0)>
#map1 = affine_map<(d0, d1) -> (0)>
module attributes {stable_mosaic.version = 14 : i64} {
  func.func @sc_kernel(%arg0: i32, %arg1: i32, %arg2: memref<9216x128xf32, #tpu.memory_space<hbm>>, %arg3: memref<1024xi32, #tpu.memory_space<hbm>>, %arg4: memref<1024x128xf32, #tpu.memory_space<hbm>>, %arg5: memref<32xi32, #tpu.memory_space<vmem>>, %arg6: memref<32x128xf32, #tpu.memory_space<vmem>>, %arg7: memref<!tpu.dma_semaphore, #tpu.memory_space<semaphore_mem>>) attributes {dimension_semantics = [#tpu.dimension_semantics<core_parallel>, #tpu.dimension_semantics<subcore_parallel>], iteration_bounds = array<i64: 2, 16>, scalar_prefetch = 0 : i64, scratch_operands = 3 : i64, tpu.core_type = #tpu.core_type<sc_vector_subcore>, window_params = [{transform_indices = #map}, {transform_indices = #map1}, {transform_indices = #map}]} {
    %mul3A = arith.constant 2 : i32
    %mul3A_0 = arith.muli %arg1, %mul3A : i32
    %add3A = arith.addi %mul3A_0, %arg0 : i32
    %mul3A_1 = arith.constant 32 : i32
    %mul3A_2 = arith.muli %add3A, %mul3A_1 : i32
    "tpu.region"() ({
      %run_scoped3A = tpu.sem_alloc : memref<!tpu.dma_semaphore, #tpu.memory_space<semaphore_mem>>
      %dma_start3A_7 = tpu.memref_slice %arg3[%mul3A_2] : memref<1024xi32, #tpu.memory_space<hbm>> -> memref<32xi32, #tpu.memory_space<hbm>>
      %dma_start3A_8 = tpu.memref_slice %arg3[%mul3A_2] : memref<1024xi32, #tpu.memory_space<hbm>> -> memref<32xi32, #tpu.memory_space<hbm>>
      tpu.enqueue_dma source(%dma_start3A_8 : memref<32xi32, #tpu.memory_space<hbm>>) target(%arg5 : memref<32xi32, #tpu.memory_space<vmem>>) target_semaphore(%run_scoped3A : memref<!tpu.dma_semaphore, #tpu.memory_space<semaphore_mem>>)
      %dma_wait3A_9 = tpu.memref_slice %arg3[%mul3A_2] : memref<1024xi32, #tpu.memory_space<hbm>> -> memref<32xi32, #tpu.memory_space<hbm>>
      %dma_wait3A_10 = tpu.memref_slice %arg3[%mul3A_2] : memref<1024xi32, #tpu.memory_space<hbm>> -> memref<32xi32, #tpu.memory_space<hbm>>
      tpu.wait_dma2 semaphore(%run_scoped3A : memref<!tpu.dma_semaphore, #tpu.memory_space<semaphore_mem>>) src(%dma_wait3A_10 : memref<32xi32, #tpu.memory_space<hbm>>) dst(%arg5 : memref<32xi32, #tpu.memory_space<vmem>>)
      tpu.yield
    }) : () -> ()
    %dma_start3A = arith.constant 0 : i32
    %dma_start3A_3 = arith.constant 0 : i32
    %dma_start3A_4 = tpu.memref_slice %arg2[%dma_start3A, %dma_start3A_3] : memref<9216x128xf32, #tpu.memory_space<hbm>> -> memref<9216x128xf32, #tpu.memory_space<hbm>>
    tpu.enqueue_indirect_dma source(%dma_start3A_4 : memref<9216x128xf32, #tpu.memory_space<hbm>>) target(%arg6 : memref<32x128xf32, #tpu.memory_space<vmem>>) offsets(%arg5 : memref<32xi32, #tpu.memory_space<vmem>>) semaphore(%arg7 : memref<!tpu.dma_semaphore, #tpu.memory_space<semaphore_mem>>)
    %dma_wait3A = arith.constant 0 : i32
    %dma_wait3A_5 = arith.constant 0 : i32
    %dma_wait3A_6 = tpu.memref_slice %arg2[%dma_wait3A, %dma_wait3A_5] : memref<9216x128xf32, #tpu.memory_space<hbm>> -> memref<9216x128xf32, #tpu.memory_space<hbm>>
    tpu.wait_indirect_dma semaphore(%arg7 : memref<!tpu.dma_semaphore, #tpu.memory_space<semaphore_mem>>) src(%dma_wait3A_6 : memref<9216x128xf32, #tpu.memory_space<hbm>>) dst(%arg6 : memref<32x128xf32, #tpu.memory_space<vmem>>)
    "tpu.region"() ({
      %run_scoped3A = tpu.sem_alloc : memref<!tpu.dma_semaphore, #tpu.memory_space<semaphore_mem>>
      %dma_start3A_7 = arith.constant 0 : i32
      %dma_start3A_8 = tpu.memref_slice %arg4[%mul3A_2, %dma_start3A_7] : memref<1024x128xf32, #tpu.memory_space<hbm>> -> memref<32x128xf32, #tpu.memory_space<hbm>>
      %dma_start3A_9 = arith.constant 0 : i32
      %dma_start3A_10 = tpu.memref_slice %arg4[%mul3A_2, %dma_start3A_9] : memref<1024x128xf32, #tpu.memory_space<hbm>> -> memref<32x128xf32, #tpu.memory_space<hbm>>
      tpu.enqueue_dma source(%arg6 : memref<32x128xf32, #tpu.memory_space<vmem>>) target(%dma_start3A_10 : memref<32x128xf32, #tpu.memory_space<hbm>>) target_semaphore(%run_scoped3A : memref<!tpu.dma_semaphore, #tpu.memory_space<semaphore_mem>>)
      %dma_wait3A_11 = arith.constant 0 : i32
      %dma_wait3A_12 = tpu.memref_slice %arg4[%mul3A_2, %dma_wait3A_11] : memref<1024x128xf32, #tpu.memory_space<hbm>> -> memref<32x128xf32, #tpu.memory_space<hbm>>
      %dma_wait3A_13 = arith.constant 0 : i32
      %dma_wait3A_14 = tpu.memref_slice %arg4[%mul3A_2, %dma_wait3A_13] : memref<1024x128xf32, #tpu.memory_space<hbm>> -> memref<32x128xf32, #tpu.memory_space<hbm>>
      tpu.wait_dma2 semaphore(%run_scoped3A : memref<!tpu.dma_semaphore, #tpu.memory_space<semaphore_mem>>) src(%arg6 : memref<32x128xf32, #tpu.memory_space<vmem>>) dst(%dma_wait3A_14 : memref<32x128xf32, #tpu.memory_space<hbm>>)
      tpu.yield
    }) : () -> ()
    return
  }
}

module attributes {stable_mosaic.version = 14 : i64} {
  func.func @_conv_head_kernel(%arg0: i32, %arg1: memref<1x1024x512xf32, #tpu.memory_space<vmem>>, %arg2: memref<1x512x512xf32, #tpu.memory_space<vmem>>, %arg3: memref<1x512xf32, #tpu.memory_space<vmem>>, %arg4: memref<512x64xf32, #tpu.memory_space<vmem>>, %arg5: memref<1x64xf32, #tpu.memory_space<vmem>>, %arg6: memref<1024x64xf32, #tpu.memory_space<vmem>>, %arg7: memref<1024x512xf32, #tpu.memory_space<vmem>>) attributes {dimension_semantics = [#tpu.dimension_semantics<arbitrary>], iteration_bounds = array<i64: 9>, scalar_prefetch = 0 : i64, scratch_operands = 1 : i64, tpu.core_type = #tpu.core_type<tc>, window_params = [{transform_indices = @transform_0, window_bounds = array<i64: 1, 1024, 512>}, {transform_indices = @transform_1, window_bounds = array<i64: 1, 512, 512>}, {pipeline_mode = #tpu.pipeline_mode<synchronous>, transform_indices = @transform_2, window_bounds = array<i64: 1, 512>}, {pipeline_mode = #tpu.pipeline_mode<synchronous>, transform_indices = @transform_3, window_bounds = array<i64: 512, 64>}, {pipeline_mode = #tpu.pipeline_mode<synchronous>, transform_indices = @transform_4, window_bounds = array<i64: 1, 64>}, {pipeline_mode = #tpu.pipeline_mode<synchronous>, transform_indices = @transform_5, window_bounds = array<i64: 1024, 64>}]} {
    %get3A = arith.constant 0 : index
    %get3A_0 = arith.constant 0 : index
    %get3A_1 = arith.constant 0 : index
    %get3A_2 = vector.load %arg1[%get3A, %get3A_0, %get3A_1] : memref<1x1024x512xf32, #tpu.memory_space<vmem>>, vector<1x1024x512xf32>
    %get3A_3 = vector.shape_cast %get3A_2 : vector<1x1024x512xf32> to vector<1024x512xf32>
    %get3A_4 = arith.constant 0 : index
    %get3A_5 = arith.constant 0 : index
    %get3A_6 = arith.constant 0 : index
    %get3A_7 = vector.load %arg2[%get3A_4, %get3A_5, %get3A_6] : memref<1x512x512xf32, #tpu.memory_space<vmem>>, vector<1x512x512xf32>
    %get3A_8 = vector.shape_cast %get3A_7 : vector<1x512x512xf32> to vector<512x512xf32>
    %dot_general3A = arith.constant dense<0.000000e+00> : vector<1024x512xf32>
    %dot_general3A_9 = tpu.matmul %get3A_3, %get3A_8, %dot_general3A {dimension_numbers = #tpu.dot_dimension_numbers<[1], [0], [0], [1], [0, 0, 1, 1], [], []>, transpose_lhs_hint = false} : vector<1024x512xf32>, vector<512x512xf32>, vector<1024x512xf32> -> vector<1024x512xf32>
    %eq3A = arith.constant 0 : i32
    %eq3A_10 = arith.cmpi eq, %arg0, %eq3A : i32
    %convert_element_type3A = arith.extui %eq3A_10 : i1 to i32
    %cond3A = arith.constant 0 : i32
    %cond3A_11 = arith.cmpi ne, %convert_element_type3A, %cond3A : i32
    scf.if %cond3A_11 {
      %swap3A = arith.constant 0 : index
      %swap3A_21 = arith.constant 0 : index
      %swap3A_22 = vector.load %arg7[%swap3A, %swap3A_21] : memref<1024x512xf32, #tpu.memory_space<vmem>>, vector<1024x512xf32>
      tpu.vector_store %arg7[%swap3A, %swap3A_21], %dot_general3A_9 {strides = array<i32>} : memref<1024x512xf32, #tpu.memory_space<vmem>>, vector<1024x512xf32>,
    } else {
    }
    %gt3A = arith.constant 0 : i32
    %gt3A_12 = arith.cmpi sgt, %arg0, %gt3A : i32
    %convert_element_type3A_13 = arith.extui %gt3A_12 : i1 to i32
    %cond3A_14 = arith.constant 0 : i32
    %cond3A_15 = arith.cmpi ne, %convert_element_type3A_13, %cond3A_14 : i32
    scf.if %cond3A_15 {
      %get3A_21 = arith.constant 0 : index
      %get3A_22 = arith.constant 0 : index
      %get3A_23 = vector.load %arg7[%get3A_21, %get3A_22] : memref<1024x512xf32, #tpu.memory_space<vmem>>, vector<1024x512xf32>
      %add3A = arith.addf %get3A_23, %dot_general3A_9 : vector<1024x512xf32>
      %swap3A = arith.constant 0 : index
      %swap3A_24 = arith.constant 0 : index
      %swap3A_25 = vector.load %arg7[%swap3A, %swap3A_24] : memref<1024x512xf32, #tpu.memory_space<vmem>>, vector<1024x512xf32>
      tpu.vector_store %arg7[%swap3A, %swap3A_24], %add3A {strides = array<i32>} : memref<1024x512xf32, #tpu.memory_space<vmem>>, vector<1024x512xf32>,
    } else {
    }
    %eq3A_16 = arith.constant 8 : i32
    %eq3A_17 = arith.cmpi eq, %arg0, %eq3A_16 : i32
    %convert_element_type3A_18 = arith.extui %eq3A_17 : i1 to i32
    %cond3A_19 = arith.constant 0 : i32
    %cond3A_20 = arith.cmpi ne, %convert_element_type3A_18, %cond3A_19 : i32
    scf.if %cond3A_20 {
      %get3A_21 = arith.constant 0 : index
      %get3A_22 = arith.constant 0 : index
      %get3A_23 = vector.load %arg7[%get3A_21, %get3A_22] : memref<1024x512xf32, #tpu.memory_space<vmem>>, vector<1024x512xf32>
      %get3A_24 = arith.constant 0 : index
      %get3A_25 = arith.constant 0 : index
      %get3A_26 = vector.load %arg3[%get3A_24, %get3A_25] : memref<1x512xf32, #tpu.memory_space<vmem>>, vector<1x512xf32>
      %add3A = vector.broadcast %get3A_26 : vector<1x512xf32> to vector<1024x512xf32>
      %add3A_27 = arith.addf %get3A_23, %add3A : vector<1024x512xf32>
      %max3A = arith.constant 0.000000e+00 : f32
      %max3A_28 = vector.broadcast %max3A : f32 to vector<1024x512xf32>
      %max3A_29 = arith.maximumf %add3A_27, %max3A_28 : vector<1024x512xf32>
      %get3A_30 = arith.constant 0 : index
      %get3A_31 = arith.constant 0 : index
      %get3A_32 = vector.load %arg4[%get3A_30, %get3A_31] : memref<512x64xf32, #tpu.memory_space<vmem>>, vector<512x64xf32>
      %dot_general3A_33 = arith.constant dense<0.000000e+00> : vector<1024x64xf32>
      %dot_general3A_34 = tpu.matmul %max3A_29, %get3A_32, %dot_general3A_33 {dimension_numbers = #tpu.dot_dimension_numbers<[1], [0], [0], [1], [0, 0, 1, 1], [], []>, transpose_lhs_hint = false} : vector<1024x512xf32>, vector<512x64xf32>, vector<1024x64xf32> -> vector<1024x64xf32>
      %get3A_35 = arith.constant 0 : index
      %get3A_36 = arith.constant 0 : index
      %get3A_37 = vector.load %arg5[%get3A_35, %get3A_36] : memref<1x64xf32, #tpu.memory_space<vmem>>, vector<1x64xf32>
      %add3A_38 = vector.broadcast %get3A_37 : vector<1x64xf32> to vector<1024x64xf32>
      %add3A_39 = arith.addf %dot_general3A_34, %add3A_38 : vector<1024x64xf32>
      %swap3A = arith.constant 0 : index
      %swap3A_40 = arith.constant 0 : index
      %swap3A_41 = vector.load %arg6[%swap3A, %swap3A_40] : memref<1024x64xf32, #tpu.memory_space<vmem>>, vector<1024x64xf32>
      tpu.vector_store %arg6[%swap3A, %swap3A_40], %add3A_39 {strides = array<i32>} : memref<1024x64xf32, #tpu.memory_space<vmem>>, vector<1024x64xf32>,
    } else {
    }
    return
  }
  func.func @transform_0(%arg0: i32) -> (i32, i32, i32) {
    %c0_i32 = arith.constant 0 : i32
    %c0_i32_0 = arith.constant 0 : i32
    %c0_i32_1 = arith.constant 0 : i32
    return %arg0, %c0_i32, %c0_i32_0 : i32, i32, i32
  }
  func.func @transform_1(%arg0: i32) -> (i32, i32, i32) {
    %c0_i32 = arith.constant 0 : i32
    %c0_i32_0 = arith.constant 0 : i32
    %c0_i32_1 = arith.constant 0 : i32
    return %arg0, %c0_i32, %c0_i32_0 : i32, i32, i32
  }
  func.func @transform_2(%arg0: i32) -> (i32, i32) {
    %c0_i32 = arith.constant 0 : i32
    %c0_i32_0 = arith.constant 0 : i32
    %c0_i32_1 = arith.constant 0 : i32
    return %c0_i32, %c0_i32_0 : i32, i32
  }
  func.func @transform_3(%arg0: i32) -> (i32, i32) {
    %c0_i32 = arith.constant 0 : i32
    %c0_i32_0 = arith.constant 0 : i32
    %c0_i32_1 = arith.constant 0 : i32
    return %c0_i32, %c0_i32_0 : i32, i32
  }
  func.func @transform_4(%arg0: i32) -> (i32, i32) {
    %c0_i32 = arith.constant 0 : i32
    %c0_i32_0 = arith.constant 0 : i32
    %c0_i32_1 = arith.constant 0 : i32
    return %c0_i32, %c0_i32_0 : i32, i32
  }
  func.func @transform_5(%arg0: i32) -> (i32, i32) {
    %c0_i32 = arith.constant 0 : i32
    %c0_i32_0 = arith.constant 0 : i32
    %c0_i32_1 = arith.constant 0 : i32
    return %c0_i32, %c0_i32_0 : i32, i32
  }
}

module attributes {stable_mosaic.version = 14 : i64} {
  func.func @_select_kernel(%arg0: i32, %arg1: memref<128x1xf32, #tpu.memory_space<vmem>>, %arg2: memref<1x9216xf32, #tpu.memory_space<vmem>>, %arg3: memref<8x1280xf32, #tpu.memory_space<vmem>>, %arg4: memref<2xi32, #tpu.memory_space<smem>>) attributes {dimension_semantics = [#tpu.dimension_semantics<arbitrary>], iteration_bounds = array<i64: 72>, scalar_prefetch = 0 : i64, scratch_operands = 1 : i64, tpu.core_type = #tpu.core_type<tc>, window_params = [{transform_indices = @transform_0, window_bounds = array<i64: 128, 1>}, {pipeline_mode = #tpu.pipeline_mode<synchronous>, transform_indices = @transform_1, window_bounds = array<i64: 1, 9216>}, {pipeline_mode = #tpu.pipeline_mode<synchronous>, transform_indices = @transform_2, window_bounds = array<i64: 8, 1280>}]} {
    %eq3A = arith.constant 0 : i32
    %eq3A_0 = arith.cmpi eq, %arg0, %eq3A : i32
    %convert_element_type3A = arith.extui %eq3A_0 : i1 to i32
    %cond3A = arith.constant 0 : i32
    %cond3A_1 = arith.cmpi ne, %convert_element_type3A, %cond3A : i32
    scf.if %cond3A_1 {
      %get3A_66 = arith.constant 0 : index
      %get3A_67 = arith.constant 0 : index
      %get3A_68 = vector.load %arg2[%get3A_66, %get3A_67] : memref<1x9216xf32, #tpu.memory_space<vmem>>, vector<1x9216xf32>
      %bitcast_convert_type3A_69 = tpu.bitcast %get3A_68 : vector<1x9216xf32> -> vector<1x9216xi32>
      %ge3A_70 = arith.constant 0 : i32
      %ge3A_71 = vector.broadcast %ge3A_70 : i32 to vector<1x9216xi32>
      %ge3A_72 = arith.cmpi sge, %bitcast_convert_type3A_69, %ge3A_71 : vector<1x9216xi32>
      %and3A_73 = arith.constant 2147483647 : i32
      %and3A_74 = vector.broadcast %and3A_73 : i32 to vector<1x9216xi32>
      %and3A_75 = arith.andi %bitcast_convert_type3A_69, %and3A_74 : vector<1x9216xi32>
      %neg3A_76 = arith.constant 0 : i32
      %neg3A_77 = vector.broadcast %neg3A_76 : i32 to vector<1x9216xi32>
      %neg3A_78 = arith.subi %neg3A_77, %and3A_75 : vector<1x9216xi32>
      %select_n3A_79 = arith.select %ge3A_72, %bitcast_convert_type3A_69, %neg3A_78 : vector<1x9216xi1>, vector<1x9216xi32>
      %scan3A = arith.constant 0 : i32
      %scan3A_80 = arith.constant 0 : i32
      %scan3A_81 = arith.constant 32 : i32
      %scan3A_82 = arith.addi %scan3A_80, %scan3A_81 : i32
      %scan3A_83 = arith.constant 1 : i32
      %scan3A_84 = scf.for %scan3A_97 = %scan3A_80 to %scan3A_82 step %scan3A_83 iter_args(%scan3A_98 = %scan3A) -> (i32)  : i32 {
        %sub3A_99 = arith.constant 31 : i32
        %sub3A_100 = arith.subi %sub3A_99, %scan3A_97 : i32
        %shift_left3A = arith.constant 1 : i32
        %shift_left3A_101 = arith.shli %shift_left3A, %sub3A_100 : i32
        %or3A = arith.ori %scan3A_98, %shift_left3A_101 : i32
        %xor3A_102 = arith.constant -2147483648 : i32
        %xor3A_103 = arith.xori %or3A, %xor3A_102 : i32
        %ge3A_104 = vector.broadcast %xor3A_103 : i32 to vector<1x9216xi32>
        %ge3A_105 = arith.cmpi sge, %select_n3A_79, %ge3A_104 : vector<1x9216xi32>
        %convert_element_type3A_106 = arith.extui %ge3A_105 : vector<1x9216xi1> to vector<1x9216xi32>
        %convert_element_type3A_107 = arith.sitofp %convert_element_type3A_106 : vector<1x9216xi32> to vector<1x9216xf32>
        %reduce_sum3A_108 = vector.shape_cast %convert_element_type3A_107 : vector<1x9216xf32> to vector<1x1x9216xf32>
        %reduce_sum3A_109 = arith.constant dense<0.000000e+00> : vector<1xf32>
        %reduce_sum3A_110 = vector.multi_reduction <add>, %reduce_sum3A_108, %reduce_sum3A_109 [1, 2] : vector<1x1x9216xf32> to vector<1xf32>
        %reduce_sum3A_111 = vector.shape_cast %reduce_sum3A_110 : vector<1xf32> to vector<1x1x1xf32>
        %reduce_sum3A_112 = vector.extract %reduce_sum3A_111[0, 0, 0] : f32 from vector<1x1x1xf32>
        %ge3A_113 = arith.constant 1.024000e+03 : f32
        %ge3A_114 = arith.cmpf oge, %reduce_sum3A_112, %ge3A_113 : f32
        %select_n3A_115 = arith.select %ge3A_114, %or3A, %scan3A_98 : i32
        scf.yield %select_n3A_115 : i32
      }
      %scan3A_85 = arith.constant 32 : i32
      %xor3A = arith.constant -2147483648 : i32
      %xor3A_86 = arith.xori %scan3A_84, %xor3A : i32
      %swap3A_87 = arith.constant 0 : index
      %swap3A_88 = memref.load %arg4[%swap3A_87] : memref<2xi32, #tpu.memory_space<smem>>
      memref.store %xor3A_86, %arg4[%swap3A_87] : memref<2xi32, #tpu.memory_space<smem>>
      %swap3A_89 = arith.constant 0 : i32
      %swap3A_90 = arith.constant 1 : index
      %swap3A_91 = memref.load %arg4[%swap3A_90] : memref<2xi32, #tpu.memory_space<smem>>
      memref.store %swap3A_89, %arg4[%swap3A_90] : memref<2xi32, #tpu.memory_space<smem>>
      %broadcast_in_dim3A_92 = arith.constant 0.000000e+00 : f32
      %broadcast_in_dim3A_93 = vector.broadcast %broadcast_in_dim3A_92 : f32 to vector<8x1280xf32>
      %swap3A_94 = arith.constant 0 : index
      %swap3A_95 = arith.constant 0 : index
      %swap3A_96 = vector.load %arg3[%swap3A_94, %swap3A_95] : memref<8x1280xf32, #tpu.memory_space<vmem>>, vector<8x1280xf32>
      tpu.vector_store %arg3[%swap3A_94, %swap3A_95], %broadcast_in_dim3A_93 {strides = array<i32>} : memref<8x1280xf32, #tpu.memory_space<vmem>>, vector<8x1280xf32>,
    } else {
    }
    %get3A = arith.constant 0 : index
    %get3A_2 = memref.load %arg4[%get3A] : memref<2xi32, #tpu.memory_space<smem>>
    %get3A_3 = arith.constant 1 : index
    %get3A_4 = memref.load %arg4[%get3A_3] : memref<2xi32, #tpu.memory_space<smem>>
    %get3A_5 = arith.constant 0 : index
    %get3A_6 = arith.constant 0 : index
    %get3A_7 = vector.load %arg1[%get3A_5, %get3A_6] : memref<128x1xf32, #tpu.memory_space<vmem>>, vector<128x1xf32>
    %bitcast_convert_type3A = tpu.bitcast %get3A_7 : vector<128x1xf32> -> vector<128x1xi32>
    %ge3A = arith.constant 0 : i32
    %ge3A_8 = vector.broadcast %ge3A : i32 to vector<128x1xi32>
    %ge3A_9 = arith.cmpi sge, %bitcast_convert_type3A, %ge3A_8 : vector<128x1xi32>
    %and3A = arith.constant 2147483647 : i32
    %and3A_10 = vector.broadcast %and3A : i32 to vector<128x1xi32>
    %and3A_11 = arith.andi %bitcast_convert_type3A, %and3A_10 : vector<128x1xi32>
    %neg3A = arith.constant 0 : i32
    %neg3A_12 = vector.broadcast %neg3A : i32 to vector<128x1xi32>
    %neg3A_13 = arith.subi %neg3A_12, %and3A_11 : vector<128x1xi32>
    %select_n3A = arith.select %ge3A_9, %bitcast_convert_type3A, %neg3A_13 : vector<128x1xi1>, vector<128x1xi32>
    %ge3A_14 = vector.broadcast %get3A_2 : i32 to vector<128x1xi32>
    %ge3A_15 = arith.cmpi sge, %select_n3A, %ge3A_14 : vector<128x1xi32>
    %convert_element_type3A_16 = arith.extui %ge3A_15 : vector<128x1xi1> to vector<128x1xi32>
    %convert_element_type3A_17 = arith.sitofp %convert_element_type3A_16 : vector<128x1xi32> to vector<128x1xf32>
    %iota3A = tpu.iota {dimensions = array<i32: 0>} : vector<128x128xi32>
    %iota3A_18 = tpu.iota {dimensions = array<i32: 1>} : vector<128x128xi32>
    %le3A = arith.cmpi sle, %iota3A_18, %iota3A : vector<128x128xi32>
    %jit3A = arith.constant 1.000000e+00 : f32
    %jit3A_19 = arith.constant 0.000000e+00 : f32
    %broadcast_in_dim3A = vector.broadcast %jit3A : f32 to vector<128x128xf32>
    %broadcast_in_dim3A_20 = vector.broadcast %jit3A_19 : f32 to vector<128x128xf32>
    %select_n3A_21 = arith.select %le3A, %broadcast_in_dim3A, %broadcast_in_dim3A_20 : vector<128x128xi1>, vector<128x128xf32>
    %dot_general3A = arith.constant dense<0.000000e+00> : vector<128x1xf32>
    %dot_general3A_22 = tpu.matmul %select_n3A_21, %convert_element_type3A_17, %dot_general3A {dimension_numbers = #tpu.dot_dimension_numbers<[1], [0], [0], [1], [0, 0, 1, 1], [], []>, transpose_lhs_hint = false} : vector<128x128xf32>, vector<128x1xf32>, vector<128x1xf32> -> vector<128x1xf32>
    %convert_element_type3A_23 = arith.fptosi %dot_general3A_22 : vector<128x1xf32> to vector<128x1xi32>
    %add3A = vector.broadcast %get3A_4 : i32 to vector<128x1xi32>
    %add3A_24 = arith.addi %add3A, %convert_element_type3A_23 : vector<128x1xi32>
    %sub3A = arith.constant 1 : i32
    %sub3A_25 = vector.broadcast %sub3A : i32 to vector<128x1xi32>
    %sub3A_26 = arith.subi %add3A_24, %sub3A_25 : vector<128x1xi32>
    %jit3A_27 = arith.constant -1 : i32
    %broadcast_in_dim3A_28 = vector.broadcast %jit3A_27 : i32 to vector<128x1xi32>
    %select_n3A_29 = arith.select %ge3A_15, %sub3A_26, %broadcast_in_dim3A_28 : vector<128x1xi1>, vector<128x1xi32>
    %iota3A_30 = tpu.iota {dimensions = array<i32: 1>} : vector<128x1280xi32>
    %eq3A_31 = vector.broadcast %select_n3A_29 : vector<128x1xi32> to vector<128x1280xi32>
    %eq3A_32 = arith.cmpi eq, %eq3A_31, %iota3A_30 : vector<128x1280xi32>
    %jit3A_33 = arith.constant 1.000000e+00 : f32
    %jit3A_34 = arith.constant 0.000000e+00 : f32
    %broadcast_in_dim3A_35 = vector.broadcast %jit3A_33 : f32 to vector<128x1280xf32>
    %broadcast_in_dim3A_36 = vector.broadcast %jit3A_34 : f32 to vector<128x1280xf32>
    %select_n3A_37 = arith.select %eq3A_32, %broadcast_in_dim3A_35, %broadcast_in_dim3A_36 : vector<128x1280xi1>, vector<128x1280xf32>
    %mul3A = arith.constant 128 : i32
    %mul3A_38 = arith.muli %arg0, %mul3A : i32
    %iota3A_39 = tpu.iota {dimensions = array<i32: 0>} : vector<128x1xi32>
    %add3A_40 = vector.broadcast %mul3A_38 : i32 to vector<128x1xi32>
    %add3A_41 = arith.addi %add3A_40, %iota3A_39 : vector<128x1xi32>
    %convert_element_type3A_42 = arith.sitofp %add3A_41 : vector<128x1xi32> to vector<128x1xf32>
    %broadcast_in_dim3A_43 = arith.constant 0.000000e+00 : f32
    %broadcast_in_dim3A_44 = vector.broadcast %broadcast_in_dim3A_43 : f32 to vector<128x6xf32>
    %concatenate3A = tpu.concatenate %get3A_7, %convert_element_type3A_42, %broadcast_in_dim3A_44 in 1 : vector<128x1xf32>, vector<128x1xf32>, vector<128x6xf32> -> vector<128x8xf32>
    %dot_general3A_45 = arith.constant dense<0.000000e+00> : vector<8x1280xf32>
    %dot_general3A_46 = tpu.matmul %concatenate3A, %select_n3A_37, %dot_general3A_45 {dimension_numbers = #tpu.dot_dimension_numbers<[0], [0], [1], [1], [0, 1, 1, 1], [], []>, transpose_lhs_hint = false} : vector<128x8xf32>, vector<128x1280xf32>, vector<8x1280xf32> -> vector<8x1280xf32>
    %get3A_47 = arith.constant 0 : index
    %get3A_48 = arith.constant 0 : index
    %get3A_49 = vector.load %arg3[%get3A_47, %get3A_48] : memref<8x1280xf32, #tpu.memory_space<vmem>>, vector<8x1280xf32>
    %add3A_50 = arith.addf %get3A_49, %dot_general3A_46 : vector<8x1280xf32>
    %swap3A = arith.constant 0 : index
    %swap3A_51 = arith.constant 0 : index
    %swap3A_52 = vector.load %arg3[%swap3A, %swap3A_51] : memref<8x1280xf32, #tpu.memory_space<vmem>>, vector<8x1280xf32>
    tpu.vector_store %arg3[%swap3A, %swap3A_51], %add3A_50 {strides = array<i32>} : memref<8x1280xf32, #tpu.memory_space<vmem>>, vector<8x1280xf32>,
    %reduce_sum3A = vector.shape_cast %convert_element_type3A_17 : vector<128x1xf32> to vector<1x128x1xf32>
    %reduce_sum3A_53 = arith.constant dense<0.000000e+00> : vector<1xf32>
    %reduce_sum3A_54 = vector.multi_reduction <add>, %reduce_sum3A, %reduce_sum3A_53 [1, 2] : vector<1x128x1xf32> to vector<1xf32>
    %reduce_sum3A_55 = vector.shape_cast %reduce_sum3A_54 : vector<1xf32> to vector<1x1x1xf32>
    %reduce_sum3A_56 = vector.extract %reduce_sum3A_55[0, 0, 0] : f32 from vector<1x1x1xf32>
    %convert_element_type3A_57 = arith.fptosi %reduce_sum3A_56 : f32 to i32
    %add3A_58 = arith.addi %get3A_4, %convert_element_type3A_57 : i32
    %swap3A_59 = arith.constant 1 : index
    %swap3A_60 = memref.load %arg4[%swap3A_59] : memref<2xi32, #tpu.memory_space<smem>>
    memref.store %add3A_58, %arg4[%swap3A_59] : memref<2xi32, #tpu.memory_space<smem>>
    %eq3A_61 = arith.constant 71 : i32
    %eq3A_62 = arith.cmpi eq, %arg0, %eq3A_61 : i32
    %convert_element_type3A_63 = arith.extui %eq3A_62 : i1 to i32
    %cond3A_64 = arith.constant 0 : i32
    %cond3A_65 = arith.cmpi ne, %convert_element_type3A_63, %cond3A_64 : i32
    scf.if %cond3A_65 {
      %iota3A_66 = tpu.iota {dimensions = array<i32: 1>} : vector<1x1280xi32>
      %get3A_67 = arith.constant 1 : index
      %get3A_68 = memref.load %arg4[%get3A_67] : memref<2xi32, #tpu.memory_space<smem>>
      %lt3A = vector.broadcast %get3A_68 : i32 to vector<1x1280xi32>
      %lt3A_69 = arith.cmpi slt, %iota3A_66, %lt3A : vector<1x1280xi32>
      %get3A_70 = arith.constant 0 : index
      %get3A_71 = arith.constant 0 : index
      %get3A_72 = vector.load %arg3[%get3A_70, %get3A_71] : memref<8x1280xf32, #tpu.memory_space<vmem>>, vector<1x1280xf32>
      %jit3A_73 = arith.constant 0xFF800000 : f32
      %broadcast_in_dim3A_74 = vector.broadcast %jit3A_73 : f32 to vector<1x1280xf32>
      %select_n3A_75 = arith.select %lt3A_69, %get3A_72, %broadcast_in_dim3A_74 : vector<1x1280xi1>, vector<1x1280xf32>
      %swap3A_76 = arith.constant 0 : index
      %swap3A_77 = arith.constant 0 : index
      %swap3A_78 = vector.load %arg3[%swap3A_76, %swap3A_77] : memref<8x1280xf32, #tpu.memory_space<vmem>>, vector<1x1280xf32>
      tpu.vector_store %arg3[%swap3A_76, %swap3A_77], %select_n3A_75 {strides = array<i32>} : memref<8x1280xf32, #tpu.memory_space<vmem>>, vector<1x1280xf32>,
    } else {
    }
    return
  }
  func.func @transform_0(%arg0: i32) -> (i32, i32) {
    %c0_i32 = arith.constant 0 : i32
    %c0_i32_0 = arith.constant 0 : i32
    return %arg0, %c0_i32 : i32, i32
  }
  func.func @transform_1(%arg0: i32) -> (i32, i32) {
    %c0_i32 = arith.constant 0 : i32
    %c0_i32_0 = arith.constant 0 : i32
    %c0_i32_1 = arith.constant 0 : i32
    return %c0_i32, %c0_i32_0 : i32, i32
  }
  func.func @transform_2(%arg0: i32) -> (i32, i32) {
    %c0_i32 = arith.constant 0 : i32
    %c0_i32_0 = arith.constant 0 : i32
    %c0_i32_1 = arith.constant 0 : i32
    return %c0_i32, %c0_i32_0 : i32, i32
  }
}

module attributes {stable_mosaic.version = 14 : i64} {
  func.func @_rank_kernel(%arg0: i32, %arg1: memref<1280x8xf32, #tpu.memory_space<vmem>>, %arg2: memref<8x1280xf32, #tpu.memory_space<vmem>>, %arg3: memref<1x1024xi32, #tpu.memory_space<vmem>>, %arg4: memref<1x1024xf32, #tpu.memory_space<vmem>>) attributes {dimension_semantics = [#tpu.dimension_semantics<arbitrary>], iteration_bounds = array<i64: 10>, scalar_prefetch = 0 : i64, scratch_operands = 1 : i64, tpu.core_type = #tpu.core_type<tc>, window_params = [{pipeline_mode = #tpu.pipeline_mode<synchronous>, transform_indices = @transform_0, window_bounds = array<i64: 1280, 8>}, {pipeline_mode = #tpu.pipeline_mode<synchronous>, transform_indices = @transform_1, window_bounds = array<i64: 8, 1280>}, {pipeline_mode = #tpu.pipeline_mode<synchronous>, transform_indices = @transform_2, window_bounds = array<i64: 1, 1024>}]} {
    %mul3A = arith.constant 128 : i32
    %mul3A_0 = arith.muli %arg0, %mul3A : i32
    %get3A = arith.index_cast %mul3A_0 : i32 to index
    %get3A_1 = arith.constant 0 : index
    %get3A_2 = vector.load %arg1[%get3A, %get3A_1] : memref<1280x8xf32, #tpu.memory_space<vmem>>, vector<128x8xf32>
    %slice3A = vector.extract_strided_slice %get3A_2 {offsets = [0, 0], sizes = [128, 1], strides = [1, 1]} : vector<128x8xf32> to vector<128x1xf32>
    %bitcast_convert_type3A = tpu.bitcast %slice3A : vector<128x1xf32> -> vector<128x1xi32>
    %ge3A = arith.constant 0 : i32
    %ge3A_3 = vector.broadcast %ge3A : i32 to vector<128x1xi32>
    %ge3A_4 = arith.cmpi sge, %bitcast_convert_type3A, %ge3A_3 : vector<128x1xi32>
    %and3A = arith.constant 2147483647 : i32
    %and3A_5 = vector.broadcast %and3A : i32 to vector<128x1xi32>
    %and3A_6 = arith.andi %bitcast_convert_type3A, %and3A_5 : vector<128x1xi32>
    %neg3A = arith.constant 0 : i32
    %neg3A_7 = vector.broadcast %neg3A : i32 to vector<128x1xi32>
    %neg3A_8 = arith.subi %neg3A_7, %and3A_6 : vector<128x1xi32>
    %select_n3A = arith.select %ge3A_4, %bitcast_convert_type3A, %neg3A_8 : vector<128x1xi1>, vector<128x1xi32>
    %slice3A_9 = vector.extract_strided_slice %get3A_2 {offsets = [0, 1], sizes = [128, 1], strides = [1, 1]} : vector<128x8xf32> to vector<128x1xf32>
    %convert_element_type3A = arith.fptosi %slice3A_9 : vector<128x1xf32> to vector<128x1xi32>
    %get3A_10 = arith.constant 0 : index
    %get3A_11 = arith.constant 0 : index
    %get3A_12 = vector.load %arg2[%get3A_10, %get3A_11] : memref<8x1280xf32, #tpu.memory_space<vmem>>, vector<1x1280xf32>
    %bitcast_convert_type3A_13 = tpu.bitcast %get3A_12 : vector<1x1280xf32> -> vector<1x1280xi32>
    %ge3A_14 = arith.constant 0 : i32
    %ge3A_15 = vector.broadcast %ge3A_14 : i32 to vector<1x1280xi32>
    %ge3A_16 = arith.cmpi sge, %bitcast_convert_type3A_13, %ge3A_15 : vector<1x1280xi32>
    %and3A_17 = arith.constant 2147483647 : i32
    %and3A_18 = vector.broadcast %and3A_17 : i32 to vector<1x1280xi32>
    %and3A_19 = arith.andi %bitcast_convert_type3A_13, %and3A_18 : vector<1x1280xi32>
    %neg3A_20 = arith.constant 0 : i32
    %neg3A_21 = vector.broadcast %neg3A_20 : i32 to vector<1x1280xi32>
    %neg3A_22 = arith.subi %neg3A_21, %and3A_19 : vector<1x1280xi32>
    %select_n3A_23 = arith.select %ge3A_16, %bitcast_convert_type3A_13, %neg3A_22 : vector<1x1280xi1>, vector<1x1280xi32>
    %get3A_24 = arith.constant 1 : index
    %get3A_25 = arith.constant 0 : index
    %get3A_26 = vector.load %arg2[%get3A_24, %get3A_25] : memref<8x1280xf32, #tpu.memory_space<vmem>>, vector<1x1280xf32>
    %convert_element_type3A_27 = arith.fptosi %get3A_26 : vector<1x1280xf32> to vector<1x1280xi32>
    %lt3A = vector.broadcast %convert_element_type3A_27 : vector<1x1280xi32> to vector<128x1280xi32>
    %lt3A_28 = vector.broadcast %convert_element_type3A : vector<128x1xi32> to vector<128x1280xi32>
    %lt3A_29 = arith.cmpi slt, %lt3A, %lt3A_28 : vector<128x1280xi32>
    %jit3A = arith.constant 1 : i32
    %jit3A_30 = arith.constant 0 : i32
    %broadcast_in_dim3A = vector.broadcast %jit3A : i32 to vector<128x1280xi32>
    %broadcast_in_dim3A_31 = vector.broadcast %jit3A_30 : i32 to vector<128x1280xi32>
    %select_n3A_32 = arith.select %lt3A_29, %broadcast_in_dim3A, %broadcast_in_dim3A_31 : vector<128x1280xi1>, vector<128x1280xi32>
    %sub3A = vector.broadcast %select_n3A : vector<128x1xi32> to vector<128x1280xi32>
    %sub3A_33 = arith.subi %sub3A, %select_n3A_32 : vector<128x1280xi32>
    %gt3A = vector.broadcast %select_n3A_23 : vector<1x1280xi32> to vector<128x1280xi32>
    %gt3A_34 = arith.cmpi sgt, %gt3A, %sub3A_33 : vector<128x1280xi32>
    %convert_element_type3A_35 = arith.extui %gt3A_34 : vector<128x1280xi1> to vector<128x1280xi32>
    %convert_element_type3A_36 = arith.sitofp %convert_element_type3A_35 : vector<128x1280xi32> to vector<128x1280xf32>
    %reduce_sum3A = arith.constant dense<0.000000e+00> : vector<128xf32>
    %reduce_sum3A_37 = vector.multi_reduction <add>, %convert_element_type3A_36, %reduce_sum3A [1] : vector<128x1280xf32> to vector<128xf32>
    %broadcast_in_dim3A_38 = vector.shape_cast %reduce_sum3A_37 : vector<128xf32> to vector<128x1xf32>
    %convert_element_type3A_39 = arith.fptosi %broadcast_in_dim3A_38 : vector<128x1xf32> to vector<128x1xi32>
    %iota3A = tpu.iota {dimensions = array<i32: 1>} : vector<1x1024xi32>
    %eq3A = vector.broadcast %convert_element_type3A_39 : vector<128x1xi32> to vector<128x1024xi32>
    %eq3A_40 = vector.broadcast %iota3A : vector<1x1024xi32> to vector<128x1024xi32>
    %eq3A_41 = arith.cmpi eq, %eq3A, %eq3A_40 : vector<128x1024xi32>
    %slice3A_42 = vector.extract_strided_slice %get3A_2 {offsets = [0, 1], sizes = [128, 1], strides = [1, 1]} : vector<128x8xf32> to vector<128x1xf32>
    %jit3A_43 = arith.constant 0.000000e+00 : f32
    %broadcast_in_dim3A_44 = vector.shape_cast %slice3A_42 : vector<128x1xf32> to vector<128x1xf32>
    %broadcast_in_dim3A_45 = vector.broadcast %broadcast_in_dim3A_44 : vector<128x1xf32> to vector<128x1024xf32>
    %broadcast_in_dim3A_46 = vector.broadcast %jit3A_43 : f32 to vector<128x1024xf32>
    %select_n3A_47 = arith.select %eq3A_41, %broadcast_in_dim3A_45, %broadcast_in_dim3A_46 : vector<128x1024xi1>, vector<128x1024xf32>
    %reduce_sum3A_48 = arith.constant dense<0.000000e+00> : vector<1024xf32>
    %reduce_sum3A_49 = vector.multi_reduction <add>, %select_n3A_47, %reduce_sum3A_48 [0] : vector<128x1024xf32> to vector<1024xf32>
    %broadcast_in_dim3A_50 = vector.shape_cast %reduce_sum3A_49 : vector<1024xf32> to vector<1x1024xf32>
    %eq3A_51 = arith.constant 0 : i32
    %eq3A_52 = arith.cmpi eq, %arg0, %eq3A_51 : i32
    %convert_element_type3A_53 = arith.extui %eq3A_52 : i1 to i32
    %cond3A = arith.constant 0 : i32
    %cond3A_54 = arith.cmpi ne, %convert_element_type3A_53, %cond3A : i32
    scf.if %cond3A_54 {
      %swap3A = arith.constant 0 : index
      %swap3A_65 = arith.constant 0 : index
      %swap3A_66 = vector.load %arg4[%swap3A, %swap3A_65] : memref<1x1024xf32, #tpu.memory_space<vmem>>, vector<1x1024xf32>
      tpu.vector_store %arg4[%swap3A, %swap3A_65], %broadcast_in_dim3A_50 {strides = array<i32>} : memref<1x1024xf32, #tpu.memory_space<vmem>>, vector<1x1024xf32>,
    } else {
    }
    %gt3A_55 = arith.constant 0 : i32
    %gt3A_56 = arith.cmpi sgt, %arg0, %gt3A_55 : i32
    %convert_element_type3A_57 = arith.extui %gt3A_56 : i1 to i32
    %cond3A_58 = arith.constant 0 : i32
    %cond3A_59 = arith.cmpi ne, %convert_element_type3A_57, %cond3A_58 : i32
    scf.if %cond3A_59 {
      %get3A_65 = arith.constant 0 : index
      %get3A_66 = arith.constant 0 : index
      %get3A_67 = vector.load %arg4[%get3A_65, %get3A_66] : memref<1x1024xf32, #tpu.memory_space<vmem>>, vector<1x1024xf32>
      %add3A = arith.addf %get3A_67, %broadcast_in_dim3A_50 : vector<1x1024xf32>
      %swap3A = arith.constant 0 : index
      %swap3A_68 = arith.constant 0 : index
      %swap3A_69 = vector.load %arg4[%swap3A, %swap3A_68] : memref<1x1024xf32, #tpu.memory_space<vmem>>, vector<1x1024xf32>
      tpu.vector_store %arg4[%swap3A, %swap3A_68], %add3A {strides = array<i32>} : memref<1x1024xf32, #tpu.memory_space<vmem>>, vector<1x1024xf32>,
    } else {
    }
    %eq3A_60 = arith.constant 9 : i32
    %eq3A_61 = arith.cmpi eq, %arg0, %eq3A_60 : i32
    %convert_element_type3A_62 = arith.extui %eq3A_61 : i1 to i32
    %cond3A_63 = arith.constant 0 : i32
    %cond3A_64 = arith.cmpi ne, %convert_element_type3A_62, %cond3A_63 : i32
    scf.if %cond3A_64 {
      %get3A_65 = arith.constant 0 : index
      %get3A_66 = arith.constant 0 : index
      %get3A_67 = vector.load %arg4[%get3A_65, %get3A_66] : memref<1x1024xf32, #tpu.memory_space<vmem>>, vector<1x1024xf32>
      %convert_element_type3A_68 = arith.fptosi %get3A_67 : vector<1x1024xf32> to vector<1x1024xi32>
      %swap3A = arith.constant 0 : index
      %swap3A_69 = arith.constant 0 : index
      %swap3A_70 = vector.load %arg3[%swap3A, %swap3A_69] : memref<1x1024xi32, #tpu.memory_space<vmem>>, vector<1x1024xi32>
      tpu.vector_store %arg3[%swap3A, %swap3A_69], %convert_element_type3A_68 {strides = array<i32>} : memref<1x1024xi32, #tpu.memory_space<vmem>>, vector<1x1024xi32>,
    } else {
    }
    return
  }
  func.func @transform_0(%arg0: i32) -> (i32, i32) {
    %c0_i32 = arith.constant 0 : i32
    %c0_i32_0 = arith.constant 0 : i32
    %c0_i32_1 = arith.constant 0 : i32
    return %c0_i32, %c0_i32_0 : i32, i32
  }
  func.func @transform_1(%arg0: i32) -> (i32, i32) {
    %c0_i32 = arith.constant 0 : i32
    %c0_i32_0 = arith.constant 0 : i32
    %c0_i32_1 = arith.constant 0 : i32
    return %c0_i32, %c0_i32_0 : i32, i32
  }
  func.func @transform_2(%arg0: i32) -> (i32, i32) {
    %c0_i32 = arith.constant 0 : i32
    %c0_i32_0 = arith.constant 0 : i32
    %c0_i32_1 = arith.constant 0 : i32
    return %c0_i32, %c0_i32_0 : i32, i32
  }
}

module attributes {stable_mosaic.version = 14 : i64} {
  func.func @_nms_kernel(%arg0: i32, %arg1: memref<1024x128xf32, #tpu.memory_space<vmem>>, %arg2: memref<9x1024xf32, #tpu.memory_space<vmem>>, %arg3: memref<128x8xf32, #tpu.memory_space<vmem>>, %arg4: memref<1024x1024xf32, #tpu.memory_space<vmem>>) attributes {dimension_semantics = [#tpu.dimension_semantics<arbitrary>], iteration_bounds = array<i64: 8>, scalar_prefetch = 0 : i64, scratch_operands = 1 : i64, tpu.core_type = #tpu.core_type<tc>, window_params = [{pipeline_mode = #tpu.pipeline_mode<synchronous>, transform_indices = @transform_0, window_bounds = array<i64: 1024, 128>}, {pipeline_mode = #tpu.pipeline_mode<synchronous>, transform_indices = @transform_1, window_bounds = array<i64: 9, 1024>}, {pipeline_mode = #tpu.pipeline_mode<synchronous>, transform_indices = @transform_2, window_bounds = array<i64: 128, 8>}]} {
    %mul3A = arith.constant 128 : i32
    %mul3A_0 = arith.muli %arg0, %mul3A : i32
    %get3A = arith.index_cast %mul3A_0 : i32 to index
    %get3A_1 = arith.constant 0 : index
    %get3A_2 = vector.load %arg1[%get3A, %get3A_1] : memref<1024x128xf32, #tpu.memory_space<vmem>>, vector<128x128xf32>
    %slice3A = vector.extract_strided_slice %get3A_2 {offsets = [0, 0], sizes = [128, 1], strides = [1, 1]} : vector<128x128xf32> to vector<128x1xf32>
    %slice3A_3 = vector.extract_strided_slice %get3A_2 {offsets = [0, 1], sizes = [128, 1], strides = [1, 1]} : vector<128x128xf32> to vector<128x1xf32>
    %slice3A_4 = vector.extract_strided_slice %get3A_2 {offsets = [0, 2], sizes = [128, 1], strides = [1, 1]} : vector<128x128xf32> to vector<128x1xf32>
    %slice3A_5 = vector.extract_strided_slice %get3A_2 {offsets = [0, 3], sizes = [128, 1], strides = [1, 1]} : vector<128x128xf32> to vector<128x1xf32>
    %slice3A_6 = vector.extract_strided_slice %get3A_2 {offsets = [0, 4], sizes = [128, 1], strides = [1, 1]} : vector<128x128xf32> to vector<128x1xf32>
    %slice3A_7 = vector.extract_strided_slice %get3A_2 {offsets = [0, 5], sizes = [128, 1], strides = [1, 1]} : vector<128x128xf32> to vector<128x1xf32>
    %slice3A_8 = vector.extract_strided_slice %get3A_2 {offsets = [0, 6], sizes = [128, 1], strides = [1, 1]} : vector<128x128xf32> to vector<128x1xf32>
    %slice3A_9 = vector.extract_strided_slice %get3A_2 {offsets = [0, 7], sizes = [128, 1], strides = [1, 1]} : vector<128x128xf32> to vector<128x1xf32>
    %mul3A_10 = arith.mulf %slice3A, %slice3A_8 : vector<128x1xf32>
    %add3A = arith.addf %mul3A_10, %slice3A_6 : vector<128x1xf32>
    %mul3A_11 = arith.mulf %slice3A_3, %slice3A_9 : vector<128x1xf32>
    %add3A_12 = arith.addf %mul3A_11, %slice3A_7 : vector<128x1xf32>
    %exp3A = math.exp %slice3A_4 : vector<128x1xf32>
    %mul3A_13 = arith.mulf %exp3A, %slice3A_8 : vector<128x1xf32>
    %mul3A_14 = arith.constant 5.000000e-01 : f32
    %mul3A_15 = vector.broadcast %mul3A_14 : f32 to vector<128x1xf32>
    %mul3A_16 = arith.mulf %mul3A_13, %mul3A_15 : vector<128x1xf32>
    %exp3A_17 = math.exp %slice3A_5 : vector<128x1xf32>
    %mul3A_18 = arith.mulf %exp3A_17, %slice3A_9 : vector<128x1xf32>
    %mul3A_19 = arith.constant 5.000000e-01 : f32
    %mul3A_20 = vector.broadcast %mul3A_19 : f32 to vector<128x1xf32>
    %mul3A_21 = arith.mulf %mul3A_18, %mul3A_20 : vector<128x1xf32>
    %sub3A = arith.subf %add3A, %mul3A_16 : vector<128x1xf32>
    %jit3A = arith.constant 0.000000e+00 : f32
    %jit3A_22 = arith.constant 5.120000e+02 : f32
    %max3A = vector.broadcast %jit3A : f32 to vector<128x1xf32>
    %max3A_23 = arith.maximumf %max3A, %sub3A : vector<128x1xf32>
    %min3A = vector.broadcast %jit3A_22 : f32 to vector<128x1xf32>
    %min3A_24 = arith.minimumf %min3A, %max3A_23 : vector<128x1xf32>
    %sub3A_25 = arith.subf %add3A_12, %mul3A_21 : vector<128x1xf32>
    %jit3A_26 = arith.constant 0.000000e+00 : f32
    %jit3A_27 = arith.constant 5.120000e+02 : f32
    %max3A_28 = vector.broadcast %jit3A_26 : f32 to vector<128x1xf32>
    %max3A_29 = arith.maximumf %max3A_28, %sub3A_25 : vector<128x1xf32>
    %min3A_30 = vector.broadcast %jit3A_27 : f32 to vector<128x1xf32>
    %min3A_31 = arith.minimumf %min3A_30, %max3A_29 : vector<128x1xf32>
    %add3A_32 = arith.addf %add3A, %mul3A_16 : vector<128x1xf32>
    %jit3A_33 = arith.constant 0.000000e+00 : f32
    %jit3A_34 = arith.constant 5.120000e+02 : f32
    %max3A_35 = vector.broadcast %jit3A_33 : f32 to vector<128x1xf32>
    %max3A_36 = arith.maximumf %max3A_35, %add3A_32 : vector<128x1xf32>
    %min3A_37 = vector.broadcast %jit3A_34 : f32 to vector<128x1xf32>
    %min3A_38 = arith.minimumf %min3A_37, %max3A_36 : vector<128x1xf32>
    %add3A_39 = arith.addf %add3A_12, %mul3A_21 : vector<128x1xf32>
    %jit3A_40 = arith.constant 0.000000e+00 : f32
    %jit3A_41 = arith.constant 5.120000e+02 : f32
    %max3A_42 = vector.broadcast %jit3A_40 : f32 to vector<128x1xf32>
    %max3A_43 = arith.maximumf %max3A_42, %add3A_39 : vector<128x1xf32>
    %min3A_44 = vector.broadcast %jit3A_41 : f32 to vector<128x1xf32>
    %min3A_45 = arith.minimumf %min3A_44, %max3A_43 : vector<128x1xf32>
    %get3A_46 = arith.constant 0 : index
    %get3A_47 = arith.constant 0 : index
    %get3A_48 = vector.load %arg2[%get3A_46, %get3A_47] : memref<9x1024xf32, #tpu.memory_space<vmem>>, vector<1x1024xf32>
    %get3A_49 = arith.constant 1 : index
    %get3A_50 = arith.constant 0 : index
    %get3A_51 = vector.load %arg2[%get3A_49, %get3A_50] : memref<9x1024xf32, #tpu.memory_space<vmem>>, vector<1x1024xf32>
    %get3A_52 = arith.constant 2 : index
    %get3A_53 = arith.constant 0 : index
    %get3A_54 = vector.load %arg2[%get3A_52, %get3A_53] : memref<9x1024xf32, #tpu.memory_space<vmem>>, vector<1x1024xf32>
    %get3A_55 = arith.constant 3 : index
    %get3A_56 = arith.constant 0 : index
    %get3A_57 = vector.load %arg2[%get3A_55, %get3A_56] : memref<9x1024xf32, #tpu.memory_space<vmem>>, vector<1x1024xf32>
    %get3A_58 = arith.constant 4 : index
    %get3A_59 = arith.constant 0 : index
    %get3A_60 = vector.load %arg2[%get3A_58, %get3A_59] : memref<9x1024xf32, #tpu.memory_space<vmem>>, vector<1x1024xf32>
    %get3A_61 = arith.constant 5 : index
    %get3A_62 = arith.constant 0 : index
    %get3A_63 = vector.load %arg2[%get3A_61, %get3A_62] : memref<9x1024xf32, #tpu.memory_space<vmem>>, vector<1x1024xf32>
    %get3A_64 = arith.constant 6 : index
    %get3A_65 = arith.constant 0 : index
    %get3A_66 = vector.load %arg2[%get3A_64, %get3A_65] : memref<9x1024xf32, #tpu.memory_space<vmem>>, vector<1x1024xf32>
    %get3A_67 = arith.constant 7 : index
    %get3A_68 = arith.constant 0 : index
    %get3A_69 = vector.load %arg2[%get3A_67, %get3A_68] : memref<9x1024xf32, #tpu.memory_space<vmem>>, vector<1x1024xf32>
    %mul3A_70 = arith.mulf %get3A_48, %get3A_66 : vector<1x1024xf32>
    %add3A_71 = arith.addf %mul3A_70, %get3A_60 : vector<1x1024xf32>
    %mul3A_72 = arith.mulf %get3A_51, %get3A_69 : vector<1x1024xf32>
    %add3A_73 = arith.addf %mul3A_72, %get3A_63 : vector<1x1024xf32>
    %exp3A_74 = math.exp %get3A_54 : vector<1x1024xf32>
    %mul3A_75 = arith.mulf %exp3A_74, %get3A_66 : vector<1x1024xf32>
    %mul3A_76 = arith.constant 5.000000e-01 : f32
    %mul3A_77 = vector.broadcast %mul3A_76 : f32 to vector<1x1024xf32>
    %mul3A_78 = arith.mulf %mul3A_75, %mul3A_77 : vector<1x1024xf32>
    %exp3A_79 = math.exp %get3A_57 : vector<1x1024xf32>
    %mul3A_80 = arith.mulf %exp3A_79, %get3A_69 : vector<1x1024xf32>
    %mul3A_81 = arith.constant 5.000000e-01 : f32
    %mul3A_82 = vector.broadcast %mul3A_81 : f32 to vector<1x1024xf32>
    %mul3A_83 = arith.mulf %mul3A_80, %mul3A_82 : vector<1x1024xf32>
    %sub3A_84 = arith.subf %add3A_71, %mul3A_78 : vector<1x1024xf32>
    %jit3A_85 = arith.constant 0.000000e+00 : f32
    %jit3A_86 = arith.constant 5.120000e+02 : f32
    %max3A_87 = vector.broadcast %jit3A_85 : f32 to vector<1x1024xf32>
    %max3A_88 = arith.maximumf %max3A_87, %sub3A_84 : vector<1x1024xf32>
    %min3A_89 = vector.broadcast %jit3A_86 : f32 to vector<1x1024xf32>
    %min3A_90 = arith.minimumf %min3A_89, %max3A_88 : vector<1x1024xf32>
    %sub3A_91 = arith.subf %add3A_73, %mul3A_83 : vector<1x1024xf32>
    %jit3A_92 = arith.constant 0.000000e+00 : f32
    %jit3A_93 = arith.constant 5.120000e+02 : f32
    %max3A_94 = vector.broadcast %jit3A_92 : f32 to vector<1x1024xf32>
    %max3A_95 = arith.maximumf %max3A_94, %sub3A_91 : vector<1x1024xf32>
    %min3A_96 = vector.broadcast %jit3A_93 : f32 to vector<1x1024xf32>
    %min3A_97 = arith.minimumf %min3A_96, %max3A_95 : vector<1x1024xf32>
    %add3A_98 = arith.addf %add3A_71, %mul3A_78 : vector<1x1024xf32>
    %jit3A_99 = arith.constant 0.000000e+00 : f32
    %jit3A_100 = arith.constant 5.120000e+02 : f32
    %max3A_101 = vector.broadcast %jit3A_99 : f32 to vector<1x1024xf32>
    %max3A_102 = arith.maximumf %max3A_101, %add3A_98 : vector<1x1024xf32>
    %min3A_103 = vector.broadcast %jit3A_100 : f32 to vector<1x1024xf32>
    %min3A_104 = arith.minimumf %min3A_103, %max3A_102 : vector<1x1024xf32>
    %add3A_105 = arith.addf %add3A_73, %mul3A_83 : vector<1x1024xf32>
    %jit3A_106 = arith.constant 0.000000e+00 : f32
    %jit3A_107 = arith.constant 5.120000e+02 : f32
    %max3A_108 = vector.broadcast %jit3A_106 : f32 to vector<1x1024xf32>
    %max3A_109 = arith.maximumf %max3A_108, %add3A_105 : vector<1x1024xf32>
    %min3A_110 = vector.broadcast %jit3A_107 : f32 to vector<1x1024xf32>
    %min3A_111 = arith.minimumf %min3A_110, %max3A_109 : vector<1x1024xf32>
    %sub3A_112 = arith.subf %min3A_38, %min3A_24 : vector<128x1xf32>
    %sub3A_113 = arith.subf %min3A_45, %min3A_31 : vector<128x1xf32>
    %mul3A_114 = arith.mulf %sub3A_112, %sub3A_113 : vector<128x1xf32>
    %sub3A_115 = arith.subf %min3A_104, %min3A_90 : vector<1x1024xf32>
    %sub3A_116 = arith.subf %min3A_111, %min3A_97 : vector<1x1024xf32>
    %mul3A_117 = arith.mulf %sub3A_115, %sub3A_116 : vector<1x1024xf32>
    %min3A_118 = vector.broadcast %min3A_38 : vector<128x1xf32> to vector<128x1024xf32>
    %min3A_119 = vector.broadcast %min3A_104 : vector<1x1024xf32> to vector<128x1024xf32>
    %min3A_120 = arith.minimumf %min3A_118, %min3A_119 : vector<128x1024xf32>
    %max3A_121 = vector.broadcast %min3A_24 : vector<128x1xf32> to vector<128x1024xf32>
    %max3A_122 = vector.broadcast %min3A_90 : vector<1x1024xf32> to vector<128x1024xf32>
    %max3A_123 = arith.maximumf %max3A_121, %max3A_122 : vector<128x1024xf32>
    %sub3A_124 = arith.subf %min3A_120, %max3A_123 : vector<128x1024xf32>
    %max3A_125 = arith.constant 0.000000e+00 : f32
    %max3A_126 = vector.broadcast %max3A_125 : f32 to vector<128x1024xf32>
    %max3A_127 = arith.maximumf %sub3A_124, %max3A_126 : vector<128x1024xf32>
    %min3A_128 = vector.broadcast %min3A_45 : vector<128x1xf32> to vector<128x1024xf32>
    %min3A_129 = vector.broadcast %min3A_111 : vector<1x1024xf32> to vector<128x1024xf32>
    %min3A_130 = arith.minimumf %min3A_128, %min3A_129 : vector<128x1024xf32>
    %max3A_131 = vector.broadcast %min3A_31 : vector<128x1xf32> to vector<128x1024xf32>
    %max3A_132 = vector.broadcast %min3A_97 : vector<1x1024xf32> to vector<128x1024xf32>
    %max3A_133 = arith.maximumf %max3A_131, %max3A_132 : vector<128x1024xf32>
    %sub3A_134 = arith.subf %min3A_130, %max3A_133 : vector<128x1024xf32>
    %max3A_135 = arith.constant 0.000000e+00 : f32
    %max3A_136 = vector.broadcast %max3A_135 : f32 to vector<128x1024xf32>
    %max3A_137 = arith.maximumf %sub3A_134, %max3A_136 : vector<128x1024xf32>
    %mul3A_138 = arith.mulf %max3A_127, %max3A_137 : vector<128x1024xf32>
    %add3A_139 = vector.broadcast %mul3A_114 : vector<128x1xf32> to vector<128x1024xf32>
    %add3A_140 = vector.broadcast %mul3A_117 : vector<1x1024xf32> to vector<128x1024xf32>
    %add3A_141 = arith.addf %add3A_139, %add3A_140 : vector<128x1024xf32>
    %sub3A_142 = arith.subf %add3A_141, %mul3A_138 : vector<128x1024xf32>
    %add3A_143 = arith.constant 9.99999971E-10 : f32
    %add3A_144 = vector.broadcast %add3A_143 : f32 to vector<128x1024xf32>
    %add3A_145 = arith.addf %sub3A_142, %add3A_144 : vector<128x1024xf32>
    %div3A = arith.divf %mul3A_138, %add3A_145 : vector<128x1024xf32>
    %mul3A_146 = arith.constant 128 : i32
    %mul3A_147 = arith.muli %arg0, %mul3A_146 : i32
    %iota3A = tpu.iota {dimensions = array<i32: 0>} : vector<128x1xi32>
    %add3A_148 = vector.broadcast %mul3A_147 : i32 to vector<128x1xi32>
    %add3A_149 = arith.addi %add3A_148, %iota3A : vector<128x1xi32>
    %iota3A_150 = tpu.iota {dimensions = array<i32: 1>} : vector<1x1024xi32>
    %gt3A = arith.constant 0.699999988 : f32
    %gt3A_151 = vector.broadcast %gt3A : f32 to vector<128x1024xf32>
    %gt3A_152 = arith.cmpf ogt, %div3A, %gt3A_151 : vector<128x1024xf32>
    %gt3A_153 = vector.broadcast %iota3A_150 : vector<1x1024xi32> to vector<128x1024xi32>
    %gt3A_154 = vector.broadcast %add3A_149 : vector<128x1xi32> to vector<128x1024xi32>
    %gt3A_155 = arith.cmpi sgt, %gt3A_153, %gt3A_154 : vector<128x1024xi32>
    %and3A = arith.andi %gt3A_152, %gt3A_155 : vector<128x1024xi1>
    %lt3A = arith.constant 1000 : i32
    %lt3A_156 = vector.broadcast %lt3A : i32 to vector<128x1xi32>
    %lt3A_157 = arith.cmpi slt, %add3A_149, %lt3A_156 : vector<128x1xi32>
    %and3A_158 = vector.broadcast %lt3A_157 : vector<128x1xi1> to vector<128x1024xi1>
    %and3A_159 = arith.andi %and3A, %and3A_158 : vector<128x1024xi1>
    %lt3A_160 = arith.constant 1000 : i32
    %lt3A_161 = vector.broadcast %lt3A_160 : i32 to vector<1x1024xi32>
    %lt3A_162 = arith.cmpi slt, %iota3A_150, %lt3A_161 : vector<1x1024xi32>
    %and3A_163 = vector.broadcast %lt3A_162 : vector<1x1024xi1> to vector<128x1024xi1>
    %and3A_164 = arith.andi %and3A_159, %and3A_163 : vector<128x1024xi1>
    %jit3A_165 = arith.constant 1.000000e+00 : f32
    %jit3A_166 = arith.constant 0.000000e+00 : f32
    %broadcast_in_dim3A = vector.broadcast %jit3A_165 : f32 to vector<128x1024xf32>
    %broadcast_in_dim3A_167 = vector.broadcast %jit3A_166 : f32 to vector<128x1024xf32>
    %select_n3A = arith.select %and3A_164, %broadcast_in_dim3A, %broadcast_in_dim3A_167 : vector<128x1024xi1>, vector<128x1024xf32>
    %mul3A_168 = arith.constant 128 : i32
    %mul3A_169 = arith.muli %arg0, %mul3A_168 : i32
    %swap3A = arith.index_cast %mul3A_169 : i32 to index
    %swap3A_170 = arith.constant 0 : index
    %swap3A_171 = vector.load %arg4[%swap3A, %swap3A_170] : memref<1024x1024xf32, #tpu.memory_space<vmem>>, vector<128x1024xf32>
    tpu.vector_store %arg4[%swap3A, %swap3A_170], %select_n3A {strides = array<i32>} : memref<1024x1024xf32, #tpu.memory_space<vmem>>, vector<128x1024xf32>,
    %eq3A = arith.constant 7 : i32
    %eq3A_172 = arith.cmpi eq, %arg0, %eq3A : i32
    %convert_element_type3A = arith.extui %eq3A_172 : i1 to i32
    %cond3A = arith.constant 0 : i32
    %cond3A_173 = arith.cmpi ne, %convert_element_type3A, %cond3A : i32
    scf.if %cond3A_173 {
      %get3A_174 = arith.constant 0 : index
      %get3A_175 = arith.constant 0 : index
      %get3A_176 = vector.load %arg4[%get3A_174, %get3A_175] : memref<1024x1024xf32, #tpu.memory_space<vmem>>, vector<1024x1024xf32>
      %lt3A_177 = arith.constant 1000 : i32
      %lt3A_178 = vector.broadcast %lt3A_177 : i32 to vector<1x1024xi32>
      %lt3A_179 = arith.cmpi slt, %iota3A_150, %lt3A_178 : vector<1x1024xi32>
      %jit3A_180 = arith.constant 1.000000e+00 : f32
      %jit3A_181 = arith.constant 0.000000e+00 : f32
      %broadcast_in_dim3A_182 = vector.broadcast %jit3A_180 : f32 to vector<1x1024xf32>
      %broadcast_in_dim3A_183 = vector.broadcast %jit3A_181 : f32 to vector<1x1024xf32>
      %select_n3A_184 = arith.select %lt3A_179, %broadcast_in_dim3A_182, %broadcast_in_dim3A_183 : vector<1x1024xi1>, vector<1x1024xf32>
      %while3A = arith.constant true
      %while3A_185:2 = scf.while (%while3A_316 = %select_n3A_184, %while3A_317 = %while3A) : (vector<1x1024xf32>, i1) -> (vector<1x1024xf32>, i1) {
        scf.condition(%while3A_317) %while3A_316, %while3A_317 : vector<1x1024xf32>, i1
      } do {
      ^bb0(%while3A_316: vector<1x1024xf32>, %while3A_317: i1):
        %dot_general3A_318 = arith.constant dense<0.000000e+00> : vector<1x1024xf32>
        %dot_general3A_319 = tpu.matmul %while3A_316, %get3A_176, %dot_general3A_318 {dimension_numbers = #tpu.dot_dimension_numbers<[1], [0], [0], [1], [0, 0, 1, 1], [], []>, transpose_lhs_hint = false} : vector<1x1024xf32>, vector<1024x1024xf32>, vector<1x1024xf32> -> vector<1x1024xf32>
        %gt3A_320 = arith.constant 0.000000e+00 : f32
        %gt3A_321 = vector.broadcast %gt3A_320 : f32 to vector<1x1024xf32>
        %gt3A_322 = arith.cmpf ogt, %dot_general3A_319, %gt3A_321 : vector<1x1024xf32>
        %jit3A_323 = arith.constant 0.000000e+00 : f32
        %broadcast_in_dim3A_324 = vector.broadcast %jit3A_323 : f32 to vector<1x1024xf32>
        %select_n3A_325 = arith.select %gt3A_322, %broadcast_in_dim3A_324, %select_n3A_184 : vector<1x1024xi1>, vector<1x1024xf32>
        %ne3A = arith.cmpf one, %select_n3A_325, %while3A_316 : vector<1x1024xf32>
        %reduce_or3A = arith.constant 1.000000e+00 : f32
        %reduce_or3A_326 = arith.constant 0.000000e+00 : f32
        %reduce_or3A_327 = vector.broadcast %reduce_or3A : f32 to vector<1x1024xf32>
        %reduce_or3A_328 = vector.broadcast %reduce_or3A_326 : f32 to vector<1x1024xf32>
        %reduce_or3A_329 = arith.select %ne3A, %reduce_or3A_327, %reduce_or3A_328 : vector<1x1024xi1>, vector<1x1024xf32>
        %reduce_or3A_330 = vector.shape_cast %reduce_or3A_329 : vector<1x1024xf32> to vector<1x1x1024xf32>
        %reduce_or3A_331 = arith.constant dense<0xFF800000> : vector<1xf32>
        %reduce_or3A_332 = vector.multi_reduction <maximumf>, %reduce_or3A_330, %reduce_or3A_331 [1, 2] : vector<1x1x1024xf32> to vector<1xf32>
        %reduce_or3A_333 = vector.shape_cast %reduce_or3A_332 : vector<1xf32> to vector<1x1x1xf32>
        %reduce_or3A_334 = vector.extract %reduce_or3A_333[0, 0, 0] : f32 from vector<1x1x1xf32>
        %reduce_or3A_335 = arith.constant 0.000000e+00 : f32
        %reduce_or3A_336 = arith.cmpf ogt, %reduce_or3A_334, %reduce_or3A_335 : f32
        scf.yield %select_n3A_325, %reduce_or3A_336 : vector<1x1024xf32>, i1
      }
      %iota3A_186 = tpu.iota {dimensions = array<i32: 0>} : vector<1024x1024xi32>
      %iota3A_187 = tpu.iota {dimensions = array<i32: 1>} : vector<1024x1024xi32>
      %le3A = arith.cmpi sle, %iota3A_186, %iota3A_187 : vector<1024x1024xi32>
      %jit3A_188 = arith.constant 1.000000e+00 : f32
      %jit3A_189 = arith.constant 0.000000e+00 : f32
      %broadcast_in_dim3A_190 = vector.broadcast %jit3A_188 : f32 to vector<1024x1024xf32>
      %broadcast_in_dim3A_191 = vector.broadcast %jit3A_189 : f32 to vector<1024x1024xf32>
      %select_n3A_192 = arith.select %le3A, %broadcast_in_dim3A_190, %broadcast_in_dim3A_191 : vector<1024x1024xi1>, vector<1024x1024xf32>
      %dot_general3A = arith.constant dense<0.000000e+00> : vector<1x1024xf32>
      %dot_general3A_193 = tpu.matmul %while3A_185#0, %select_n3A_192, %dot_general3A {dimension_numbers = #tpu.dot_dimension_numbers<[1], [0], [0], [1], [0, 0, 1, 1], [], []>, transpose_lhs_hint = false} : vector<1x1024xf32>, vector<1024x1024xf32>, vector<1x1024xf32> -> vector<1x1024xf32>
      %sub3A_194 = arith.constant 1.000000e+00 : f32
      %sub3A_195 = vector.broadcast %sub3A_194 : f32 to vector<1x1024xf32>
      %sub3A_196 = arith.subf %sub3A_195, %while3A_185#0 : vector<1x1024xf32>
      %mul3A_197 = arith.mulf %select_n3A_184, %sub3A_196 : vector<1x1024xf32>
      %dot_general3A_198 = arith.constant dense<0.000000e+00> : vector<1x1024xf32>
      %dot_general3A_199 = tpu.matmul %mul3A_197, %select_n3A_192, %dot_general3A_198 {dimension_numbers = #tpu.dot_dimension_numbers<[1], [0], [0], [1], [0, 0, 1, 1], [], []>, transpose_lhs_hint = false} : vector<1x1024xf32>, vector<1024x1024xf32>, vector<1x1024xf32> -> vector<1x1024xf32>
      %reduce_sum3A = vector.shape_cast %while3A_185#0 : vector<1x1024xf32> to vector<1x1x1024xf32>
      %reduce_sum3A_200 = arith.constant dense<0.000000e+00> : vector<1xf32>
      %reduce_sum3A_201 = vector.multi_reduction <add>, %reduce_sum3A, %reduce_sum3A_200 [1, 2] : vector<1x1x1024xf32> to vector<1xf32>
      %reduce_sum3A_202 = vector.shape_cast %reduce_sum3A_201 : vector<1xf32> to vector<1x1x1xf32>
      %reduce_sum3A_203 = vector.extract %reduce_sum3A_202[0, 0, 0] : f32 from vector<1x1x1xf32>
      %gt3A_204 = arith.constant 0.000000e+00 : f32
      %gt3A_205 = vector.broadcast %gt3A_204 : f32 to vector<1x1024xf32>
      %gt3A_206 = arith.cmpf ogt, %while3A_185#0, %gt3A_205 : vector<1x1024xf32>
      %sub3A_207 = arith.constant 1.000000e+00 : f32
      %sub3A_208 = vector.broadcast %sub3A_207 : f32 to vector<1x1024xf32>
      %sub3A_209 = arith.subf %dot_general3A_193, %sub3A_208 : vector<1x1024xf32>
      %add3A_210 = vector.broadcast %reduce_sum3A_203 : f32 to vector<1x1024xf32>
      %add3A_211 = arith.addf %add3A_210, %dot_general3A_199 : vector<1x1024xf32>
      %sub3A_212 = arith.constant 1.000000e+00 : f32
      %sub3A_213 = vector.broadcast %sub3A_212 : f32 to vector<1x1024xf32>
      %sub3A_214 = arith.subf %add3A_211, %sub3A_213 : vector<1x1024xf32>
      %select_n3A_215 = arith.select %gt3A_206, %sub3A_209, %sub3A_214 : vector<1x1024xi1>, vector<1x1024xf32>
      %convert_element_type3A_216 = arith.fptosi %select_n3A_215 : vector<1x1024xf32> to vector<1x1024xi32>
      %iota3A_217 = tpu.iota {dimensions = array<i32: 0>} : vector<128x1024xi32>
      %eq3A_218 = vector.broadcast %convert_element_type3A_216 : vector<1x1024xi32> to vector<128x1024xi32>
      %eq3A_219 = arith.cmpi eq, %eq3A_218, %iota3A_217 : vector<128x1024xi32>
      %gt3A_220 = arith.constant 0.000000e+00 : f32
      %gt3A_221 = vector.broadcast %gt3A_220 : f32 to vector<1x1024xf32>
      %gt3A_222 = arith.cmpf ogt, %select_n3A_184, %gt3A_221 : vector<1x1024xf32>
      %and3A_223 = vector.broadcast %gt3A_222 : vector<1x1024xi1> to vector<128x1024xi1>
      %and3A_224 = arith.andi %eq3A_219, %and3A_223 : vector<128x1024xi1>
      %jit3A_225 = arith.constant 1.000000e+00 : f32
      %jit3A_226 = arith.constant 0.000000e+00 : f32
      %broadcast_in_dim3A_227 = vector.broadcast %jit3A_225 : f32 to vector<128x1024xf32>
      %broadcast_in_dim3A_228 = vector.broadcast %jit3A_226 : f32 to vector<128x1024xf32>
      %select_n3A_229 = arith.select %and3A_224, %broadcast_in_dim3A_227, %broadcast_in_dim3A_228 : vector<128x1024xi1>, vector<128x1024xf32>
      %get3A_230 = arith.constant 0 : index
      %get3A_231 = arith.constant 0 : index
      %get3A_232 = vector.load %arg1[%get3A_230, %get3A_231] : memref<1024x128xf32, #tpu.memory_space<vmem>>, vector<1024x1xf32>
      %get3A_233 = arith.constant 0 : index
      %get3A_234 = arith.constant 1 : index
      %get3A_235 = vector.load %arg1[%get3A_233, %get3A_234] : memref<1024x128xf32, #tpu.memory_space<vmem>>, vector<1024x1xf32>
      %get3A_236 = arith.constant 0 : index
      %get3A_237 = arith.constant 2 : index
      %get3A_238 = vector.load %arg1[%get3A_236, %get3A_237] : memref<1024x128xf32, #tpu.memory_space<vmem>>, vector<1024x1xf32>
      %get3A_239 = arith.constant 0 : index
      %get3A_240 = arith.constant 3 : index
      %get3A_241 = vector.load %arg1[%get3A_239, %get3A_240] : memref<1024x128xf32, #tpu.memory_space<vmem>>, vector<1024x1xf32>
      %get3A_242 = arith.constant 0 : index
      %get3A_243 = arith.constant 4 : index
      %get3A_244 = vector.load %arg1[%get3A_242, %get3A_243] : memref<1024x128xf32, #tpu.memory_space<vmem>>, vector<1024x1xf32>
      %get3A_245 = arith.constant 0 : index
      %get3A_246 = arith.constant 5 : index
      %get3A_247 = vector.load %arg1[%get3A_245, %get3A_246] : memref<1024x128xf32, #tpu.memory_space<vmem>>, vector<1024x1xf32>
      %get3A_248 = arith.constant 0 : index
      %get3A_249 = arith.constant 6 : index
      %get3A_250 = vector.load %arg1[%get3A_248, %get3A_249] : memref<1024x128xf32, #tpu.memory_space<vmem>>, vector<1024x1xf32>
      %get3A_251 = arith.constant 0 : index
      %get3A_252 = arith.constant 7 : index
      %get3A_253 = vector.load %arg1[%get3A_251, %get3A_252] : memref<1024x128xf32, #tpu.memory_space<vmem>>, vector<1024x1xf32>
      %get3A_254 = arith.constant 0 : index
      %get3A_255 = arith.constant 8 : index
      %get3A_256 = vector.load %arg1[%get3A_254, %get3A_255] : memref<1024x128xf32, #tpu.memory_space<vmem>>, vector<1024x1xf32>
      %mul3A_257 = arith.mulf %get3A_232, %get3A_250 : vector<1024x1xf32>
      %add3A_258 = arith.addf %mul3A_257, %get3A_244 : vector<1024x1xf32>
      %mul3A_259 = arith.mulf %get3A_235, %get3A_253 : vector<1024x1xf32>
      %add3A_260 = arith.addf %mul3A_259, %get3A_247 : vector<1024x1xf32>
      %exp3A_261 = math.exp %get3A_238 : vector<1024x1xf32>
      %mul3A_262 = arith.mulf %exp3A_261, %get3A_250 : vector<1024x1xf32>
      %mul3A_263 = arith.constant 5.000000e-01 : f32
      %mul3A_264 = vector.broadcast %mul3A_263 : f32 to vector<1024x1xf32>
      %mul3A_265 = arith.mulf %mul3A_262, %mul3A_264 : vector<1024x1xf32>
      %exp3A_266 = math.exp %get3A_241 : vector<1024x1xf32>
      %mul3A_267 = arith.mulf %exp3A_266, %get3A_253 : vector<1024x1xf32>
      %mul3A_268 = arith.constant 5.000000e-01 : f32
      %mul3A_269 = vector.broadcast %mul3A_268 : f32 to vector<1024x1xf32>
      %mul3A_270 = arith.mulf %mul3A_267, %mul3A_269 : vector<1024x1xf32>
      %sub3A_271 = arith.subf %add3A_258, %mul3A_265 : vector<1024x1xf32>
      %jit3A_272 = arith.constant 0.000000e+00 : f32
      %jit3A_273 = arith.constant 5.120000e+02 : f32
      %max3A_274 = vector.broadcast %jit3A_272 : f32 to vector<1024x1xf32>
      %max3A_275 = arith.maximumf %max3A_274, %sub3A_271 : vector<1024x1xf32>
      %min3A_276 = vector.broadcast %jit3A_273 : f32 to vector<1024x1xf32>
      %min3A_277 = arith.minimumf %min3A_276, %max3A_275 : vector<1024x1xf32>
      %sub3A_278 = arith.subf %add3A_260, %mul3A_270 : vector<1024x1xf32>
      %jit3A_279 = arith.constant 0.000000e+00 : f32
      %jit3A_280 = arith.constant 5.120000e+02 : f32
      %max3A_281 = vector.broadcast %jit3A_279 : f32 to vector<1024x1xf32>
      %max3A_282 = arith.maximumf %max3A_281, %sub3A_278 : vector<1024x1xf32>
      %min3A_283 = vector.broadcast %jit3A_280 : f32 to vector<1024x1xf32>
      %min3A_284 = arith.minimumf %min3A_283, %max3A_282 : vector<1024x1xf32>
      %add3A_285 = arith.addf %add3A_258, %mul3A_265 : vector<1024x1xf32>
      %jit3A_286 = arith.constant 0.000000e+00 : f32
      %jit3A_287 = arith.constant 5.120000e+02 : f32
      %max3A_288 = vector.broadcast %jit3A_286 : f32 to vector<1024x1xf32>
      %max3A_289 = arith.maximumf %max3A_288, %add3A_285 : vector<1024x1xf32>
      %min3A_290 = vector.broadcast %jit3A_287 : f32 to vector<1024x1xf32>
      %min3A_291 = arith.minimumf %min3A_290, %max3A_289 : vector<1024x1xf32>
      %add3A_292 = arith.addf %add3A_260, %mul3A_270 : vector<1024x1xf32>
      %jit3A_293 = arith.constant 0.000000e+00 : f32
      %jit3A_294 = arith.constant 5.120000e+02 : f32
      %max3A_295 = vector.broadcast %jit3A_293 : f32 to vector<1024x1xf32>
      %max3A_296 = arith.maximumf %max3A_295, %add3A_292 : vector<1024x1xf32>
      %min3A_297 = vector.broadcast %jit3A_294 : f32 to vector<1024x1xf32>
      %min3A_298 = arith.minimumf %min3A_297, %max3A_296 : vector<1024x1xf32>
      %neg3A = arith.constant 0.000000e+00 : f32
      %neg3A_299 = vector.broadcast %neg3A : f32 to vector<1024x1xf32>
      %neg3A_300 = arith.subf %neg3A_299, %get3A_256 : vector<1024x1xf32>
      %exp3A_301 = math.exp %neg3A_300 : vector<1024x1xf32>
      %add3A_302 = arith.constant 1.000000e+00 : f32
      %add3A_303 = vector.broadcast %add3A_302 : f32 to vector<1024x1xf32>
      %add3A_304 = arith.addf %add3A_303, %exp3A_301 : vector<1024x1xf32>
      %div3A_305 = arith.constant 1.000000e+00 : f32
      %div3A_306 = vector.broadcast %div3A_305 : f32 to vector<1024x1xf32>
      %div3A_307 = arith.divf %div3A_306, %add3A_304 : vector<1024x1xf32>
      %mul3A_308 = arith.constant 0.000000e+00 : f32
      %mul3A_309 = vector.broadcast %mul3A_308 : f32 to vector<1024x1xf32>
      %mul3A_310 = arith.mulf %min3A_277, %mul3A_309 : vector<1024x1xf32>
      %concatenate3A = tpu.concatenate %min3A_277, %min3A_284, %min3A_291, %min3A_298, %div3A_307, %mul3A_310, %mul3A_310, %mul3A_310 in 1 : vector<1024x1xf32>, vector<1024x1xf32>, vector<1024x1xf32>, vector<1024x1xf32>, vector<1024x1xf32>, vector<1024x1xf32>, vector<1024x1xf32>, vector<1024x1xf32> -> vector<1024x8xf32>
      %dot_general3A_311 = arith.constant dense<0.000000e+00> : vector<128x8xf32>
      %dot_general3A_312 = tpu.matmul %select_n3A_229, %concatenate3A, %dot_general3A_311 {dimension_numbers = #tpu.dot_dimension_numbers<[1], [0], [0], [1], [0, 0, 1, 1], [], []>, transpose_lhs_hint = false} : vector<128x1024xf32>, vector<1024x8xf32>, vector<128x8xf32> -> vector<128x8xf32>
      %swap3A_313 = arith.constant 0 : index
      %swap3A_314 = arith.constant 0 : index
      %swap3A_315 = vector.load %arg3[%swap3A_313, %swap3A_314] : memref<128x8xf32, #tpu.memory_space<vmem>>, vector<128x8xf32>
      tpu.vector_store %arg3[%swap3A_313, %swap3A_314], %dot_general3A_312 {strides = array<i32>} : memref<128x8xf32, #tpu.memory_space<vmem>>, vector<128x8xf32>,
    } else {
    }
    return
  }
  func.func @transform_0(%arg0: i32) -> (i32, i32) {
    %c0_i32 = arith.constant 0 : i32
    %c0_i32_0 = arith.constant 0 : i32
    %c0_i32_1 = arith.constant 0 : i32
    return %c0_i32, %c0_i32_0 : i32, i32
  }
  func.func @transform_1(%arg0: i32) -> (i32, i32) {
    %c0_i32 = arith.constant 0 : i32
    %c0_i32_0 = arith.constant 0 : i32
    %c0_i32_1 = arith.constant 0 : i32
    return %c0_i32, %c0_i32_0 : i32, i32
  }
  func.func @transform_2(%arg0: i32) -> (i32, i32) {
    %c0_i32 = arith.constant 0 : i32
    %c0_i32_0 = arith.constant 0 : i32
    %c0_i32_1 = arith.constant 0 : i32
    return %c0_i32, %c0_i32_0 : i32, i32
  }
}

</mosaic_0001>

<sc_bundles>
// kernel: kernel.7.cloned.1.call-start
scs
__scs_entry_jumppad:
0x0: {  	(pc) =	sbr.rel $0x88, $3  }
0x1: {  	(tag) =	ssettag $0x0;
	lr =	simm.s32 $0x1  }
0x2: {  	[smem:$0x3F9A] =	sst lr;
	_ =	strace $0xD0000000  }
0x3: {  	_ = 	snop  }
0x4: {  	_ = 	snop  }
0x5: {  	_ = 	snop  }
0x6: {  	_ = 	snop  }
0x7: {  	_ = 	snop  }
__scs_overlays_trampoline_lowered:
0x8: {  	[smem:$0x3FA9] =	sst s0  }
0x9: {  	[smem:$0x3FAA] =	sst s1  }
0xa: {  	[smem:$0x3FAB] =	sst s2  }
0xb: {  	[smem:$0x3FAC] =	sst s3  }
0xc: {  	[smem:$0x3FAD] =	sst s4  }
0xd: {  	[smem:$0x3FAE] =	sst s5  }
0xe: {  	[smem:$0x3FAF] =	sst s6  }
0xf: {  	[smem:$0x3FB0] =	sst s7  }
0x10: {  	[smem:$0x3FB1] =	sst s8  }
0x11: {  	[smem:$0x3FB2] =	sst s9;
	s0 =	simm.s32 @!p0 $0x0  }
0x12: {  	s1 =	sld [smem:$0x3F98];
	s0 =	simm.s32 @p0 $0x1  }
0x13: {  	[smem:$0x3FB3] =	sst s0;
	s0 =	simm.s32 @!p1 $0x0  }
0x14: {  	s2 =	sld [smem:$0x3F97];
	s0 =	simm.s32 @p1 $0x1  }
0x15: {  	[smem:$0x3FB4] =	sst s0;
	s0 =	simm.s32 @!p2 $0x0  }
0x16: {  	s3 =	sld [smem:$0x3FDB];
	s0 =	simm.s32 @p2 $0x1  }
0x17: {  	s4 =	simm.s32 $0x1BF5;
	[smem:$0x3FB6] =	sst s0  }
0x18: {  	s0 =	sld [smem:$0x3F99];
	_ =	swait.ge [sflag:s4], $0x0  }
0x19: {  	s7 =	sld [smem:$0x3F9A]  }
0x1a: {  	s8 =	sadd.s32 $0xFFFFE003, lr  }
0x1b: {  	s9 =	sadd.s32 $0xFFFFFEF7, lr;
	s5 =	simm.s32 $0xFFFFFFFF;
	p2 =	slt.u32 s8, $0xFFFFF086  }
0x1c: {  	p1 =	slt.u32 s9, $0xF7A;
	s5 =	simm.s32 @!p2 $0x0  }
0x1d: {  	s5 =	simm.s32 @p1 $0x1;
	p0 =	seq.s32 s7, s2  }
0x1e: {  	s7 =	smul.u32 @!p0 $0xF7A, s2;
	p2 =	seq.s32 @!p0 s5, $0x0  }
0x1f: {  	s9 =	smul.u32 $0xF7A, s1;
	s8 =	simm.s32 @!p0 $0x1BF5;
	p2 =	por !p2, p0  }
0x20: {  	[sflag:s8] =	ssyncset.s32 @!p0 $0xFFFFF086;
	s6 =	sadd.s32 @!p0 s3, s7;
	s7 =	simm.s32 @!p0 $0x108  }
0x21: {  	s3 =	sadd.s32 s3, s9;
	s6 =	sadd.s32 @!p0 $0x88, s6;
	s7 =	simm.s32 @p2 $0x1082  }
0x22: {  	[simem:s7], [sflag:s8] =	dma.local @!p0 [hbm:s6], $0xF7A  }
0x23: {  	s9 =	sor.u32 $0xD0000000, s2;
	s6 =	simm.s32 $0x108;
	_ =	swait.ge @!p0 [sflag:s8], $0x0  }
0x24: {  	s3 =	sadd.s32 $0x88, s3;
	s6 =	simm.s32 @!p1 $0x1082;
	[sflag:s4] =	ssyncset.s32 $0xFFFFF086  }
0x25: {  	[simem:s6], [sflag:s4] =	dma.local [hbm:s3], $0xF7A  }
0x26: {  	[smem:$0x3F9A] =	sst s1;
	(tag) =	ssettag s2;
	_ =	strace s9  }
0x27: {  	s1 =	sld [smem:$0x3FAA]  }
0x28: {  	s2 =	sld [smem:$0x3FAB]  }
0x29: {  	s4 =	sld [smem:$0x3FAD]  }
0x2a: {  	p0 =	seq.s32 s5, $0x0;
	s5 =	sld [smem:$0x3FAE]  }
0x2b: {  	s6 =	sld [smem:$0x3FAF]  }
0x2c: {  	s7 =	sld [smem:$0x3FB0]  }
0x2d: {  	s3 =	simm.s32 $0x108;
	s8 =	sld [smem:$0x3FB1]  }
0x2e: {  	s3 =	simm.s32 @!p0 $0x1082;
	s9 =	sld [smem:$0x3FB2]  }
0x2f: {  	lr =	sadd.s32 s0, s3;
	s0 =	sld [smem:$0x3FA9]  }
0x30: {  	s3 =	sld [smem:$0x3FAC]  }
0x31: {  	[smem:$0x3FB5] =	sst s10  }
0x32: {  	s10 =	sld [smem:$0x3FB3];
	_ =	sdelay $0x3  }
0x33: {  	p0 =	seq.s32 s10, $0x1;
	s10 =	sld [smem:$0x3FB5];
	_ =	sdelay $0x3  }
0x34: {  	[smem:$0x3FB5] =	sst s10  }
0x35: {  	s10 =	sld [smem:$0x3FB4];
	_ =	sdelay $0x3  }
0x36: {  	p1 =	seq.s32 s10, $0x1;
	s10 =	sld [smem:$0x3FB5];
	_ =	sdelay $0x3  }
0x37: {  	[smem:$0x3FB5] =	sst s10  }
0x38: {  	s10 =	sld [smem:$0x3FB6]  }
0x39: {  	_ = 	snop;
	(pc) =	sbr.ind lr, $3  }
0x3a: {  	_ = 	snop  }
0x3b: {  	_ = 	snop  }
0x3c: {  	p2 =	seq.s32 s10, $0x1;
	s10 =	sld [smem:$0x3FB5]  }
0x3d: {  	_ =	shalt  }
0x3e: {  	_ =	shalt  }
0x3f: {  	_ =	shalt  }
0x40: {  	_ =	shalt  }
0x41: {  	_ =	shalt  }
0x42: {  	_ =	shalt  }
0x43: {  	_ =	shalt  }
0x44: {  	_ =	shalt  }
0x45: {  	_ =	shalt  }
0x46: {  	_ =	shalt  }
0x47: {  	_ =	shalt  }
0x48: {  	_ =	shalt  }
0x49: {  	_ =	shalt  }
0x4a: {  	_ =	shalt  }
0x4b: {  	_ =	shalt  }
0x4c: {  	_ =	shalt  }
0x4d: {  	_ =	shalt  }
0x4e: {  	_ =	shalt  }
0x4f: {  	_ =	shalt  }
0x50: {  	_ =	shalt  }
0x51: {  	_ =	shalt  }
0x52: {  	_ =	shalt  }
0x53: {  	_ =	shalt  }
0x54: {  	_ =	shalt  }
0x55: {  	_ =	shalt  }
0x56: {  	_ =	shalt  }
0x57: {  	_ =	shalt  }
0x58: {  	_ =	shalt  }
0x59: {  	_ =	shalt  }
0x5a: {  	_ =	shalt  }
0x5b: {  	_ =	shalt  }
0x5c: {  	_ =	shalt  }
0x5d: {  	_ =	shalt  }
0x5e: {  	_ =	shalt  }
0x5f: {  	_ =	shalt  }
0x60: {  	_ =	shalt  }
0x61: {  	_ =	shalt  }
0x62: {  	_ =	shalt  }
0x63: {  	_ =	shalt  }
0x64: {  	_ =	shalt  }
0x65: {  	_ =	shalt  }
0x66: {  	_ =	shalt  }
0x67: {  	_ =	shalt  }
0x68: {  	_ =	shalt  }
0x69: {  	_ =	shalt  }
0x6a: {  	_ =	shalt  }
0x6b: {  	_ =	shalt  }
0x6c: {  	_ =	shalt  }
0x6d: {  	_ =	shalt  }
0x6e: {  	_ =	shalt  }
0x6f: {  	_ =	shalt  }
0x70: {  	_ =	shalt  }
0x71: {  	_ =	shalt  }
0x72: {  	_ =	shalt  }
0x73: {  	_ =	shalt  }
0x74: {  	_ =	shalt  }
0x75: {  	_ =	shalt  }
0x76: {  	_ =	shalt  }
0x77: {  	_ =	shalt  }
0x78: {  	_ =	shalt  }
0x79: {  	_ =	shalt  }
0x7a: {  	_ =	shalt  }
0x7b: {  	_ =	shalt  }
0x7c: {  	_ =	shalt  }
0x7d: {  	_ =	shalt  }
0x7e: {  	_ =	shalt  }
0x7f: {  	_ =	shalt  }
0x80: {  	_ =	shalt  }
0x81: {  	_ =	shalt  }
0x82: {  	_ =	shalt  }
0x83: {  	_ =	shalt  }
0x84: {  	_ =	shalt  }
0x85: {  	_ =	shalt  }
0x86: {  	_ =	shalt  }
0x87: {  	_ =	shalt  }
.Lfunc_end0:
.L_simem_size_0:
called_computation_lowered:
.L_overlay_start_0:
0x88: {  	s2 =	sld [smem:$0x3FD9]  }
0x89: {  	s3 =	sld [smem:$0x3FFE];
	_ =	sdelay $0x1  }
0x8a: {  	s1 =	srdreg.scid  }
0x8b: {  	s0 =	sand.u32 $0x1, s1  }
0x8c: {  	s16 =	sshll.u32 s0, $0xA;
	s2 =	sadd.s32 s3, s2  }
0x8d: {  	s2 =	sadd.s32 s2, s16  }
0x8e: {  	[smem:$0x3FC1] =	sst s2  }
0x8f: {  	_ = 	snop  }
0x90: {  	(tm) =	ssettm $0x1  }
0x91: {  	s17 =	sld [smem:$0x3FFB];
	_ =	sdelay $0x3  }
0x92: {  	_ =	strace s17  }
0x93: {  	s2 =	sld [smem:$0x3FFC];
	_ =	sdelay $0x3  }
0x94: {  	_ =	strace s2  }
0x95: {  	s2 =	sld [smem:$0x3FFD];
	_ =	sdelay $0x3  }
0x96: {  	_ =	strace s2  }
0x97: {  	_ =	strace $0x8FFFFFFF  }
0x98: {  	s18 =	sld [smem:$0x3FDB];
	_ =	sdelay $0x1  }
0x99: {  	s19 =	simm.s32 $_scs_section_size  }
0x9a: {  	s4 =	simm.s32 $_size__tile_overlayer_lowered;
	s5 =	simm.s32 $_tile_overlayer_lowered  }
0x9b: {  	s22 =	simm.s32 $0x1BFF;
	s21 =	sshll.u32 s5, $0x1;
	s2 =	sadd.s32 s19, s18  }
0x9c: {  	s6 =	simm.s32 $0x0;
	s20 =	sshll.u32 s4, $0x1;
	s4 =	sadd.s32 s21, s2  }
0x9d: {  	[timem:s6], [sflag:s22] =	dma.local [hbm:s4], s20  }
0x9e: {  	_ =	swait.ge [sflag:s22], s20  }
0x9f: {  	s3 =	ssub.s32 $0x0, s20;
	[sflag:s22] =	ssyncset.done $0x0  }
0xa0: {  	[sflag:s22] =	ssyncadd.s32 s3;
	_ =	sdelay $0x1  }
0xa1: {  	s23 =	simm.s32 $0x1B8B  }
0xa2: {  	_ =	swait.ge [sflag:s23], $0x1  }
0xa3: {  	[sflag:s23] =	ssyncset.done $0x0  }
0xa4: {  	s25 =	simm.s32 $0x1B8E;
	s24 =	sld [smem:$0x3FFE];
	[sflag:s23] =	ssyncadd.s32 $0xFFFFFFFF  }
0xa5: {  	s26 =	simm.s32 $execute0_lowered;
	[smem:$0x3FD2] =	sst s25  }
0xa6: {  	s4 =	sshll.u32 s26, $0x1;
	_ =	strace $0x80000046;
	[dreg:$0x1] =	wrdreg $0xFFFFFFFF  }
0xa7: {  	s28 =	simm.s32 $_size_execute0_lowered;
	s2 =	sadd.s32 s2, s4;
	[dreg:$0x0] =	wrdreg $0x0  }
0xa8: {  	s4 =	sshll.u32 s28, $0x1;
	[dreg:$0x2] =	wrdreg s2  }
0xa9: {  	[dreg:$0x3] =	wrdreg s4  }
0xaa: {  	[dreg:$0x4] =	wrdreg $0xC0  }
0xab: {  	_ =	task [dreg:s6], $0x5FFFF  }
0xac: {  	[dreg:$0x1] =	wrdreg $0xFFFFFFFF  }
0xad: {  	[dreg:$0x0] =	wrdreg $0x60  }
0xae: {  	[dreg:$0x2] =	wrdreg s24  }
0xaf: {  	[dreg:$0x3] =	wrdreg $0x9  }
0xb0: {  	_ =	task.clear_ibuf [dreg:s6], $0x4FFFF;
	_ =	strace $0x90000046  }
0xb1: {  	s29 =	simm.s32 $0x9;
	_ =	strace $0x80000048  }
0xb2: {  	_ =	swait.ge [sflag:s29], $0x1  }
0xb3: {  	[sflag:s29] =	ssyncadd.s32 $0xFFFFFFFF  }
0xb4: {  	_ =	strace $0x90000048  }
0xb5: {  	_ =	sfence  }
0xb6: {  	s30 =	sld [smem:$0x0];
	_ =	sdelay $0x2  }
0xb7: {  	s31 =	sshll.u32 s1, $0xD;
	s1 =	sshrl.u32 s1, $0x2  }
0xb8: {  	s3 =	sand.u32 $0x4000, s31;
	s1 =	sadd.s32 s1, s30  }
0xb9: {  	s0 =	sor.u32 s3, s0;
	s1 =	sshll.u32 s1, $0x11  }
0xba: {  	s0 =	sor.u32 s1, s0  }
0xbb: {  	s0 =	sadd.s32 $0x8F2B, s0  }
0xbc: {  	[sflag:s0] =	ssyncadd.remote.s32 $0x1  }
0xbd: {  	_ =	sfence.sel $0xFFFF  }
0xbe: {  	[dreg:$0x0] =	wrdreg $0xFFFFFFFF;
	(pc) =	sbr.abs _section_cstart, $3  }
0xbf: {  	[dreg:$0x1] =	wrdreg $0xFFFFFFFF  }
0xc0: {  	_ =	task.clear_ibuf [dreg:s6], $0x2FFFF;
	_ =	strace $0x9FFFFFFF  }
0xc1: {  	(tm) =	ssettm $0x7FFFFFFF  }
tec
execute0_lowered:
.L_overlay_start_1:
0x0: {  	(tag) =	ssettag $0x1  }
0x1: {  	s1 =	srdreg.scid  }
0x2: {  	s0 =	stileid.u32;
	s9 =	rddreg [dreg:$0x0];
	s6 =	sand.u32 $0x1, s1  }
0x3: {  	s7 =	simm.s32 $0x80;
	s30 =	sshll.u32 s0, $0x6;
	s2 =	sshll.u32 s6, $0x5  }
0x4: {  	s8 =	simm.s32 $0x1;
	s1 =	rddreg [dreg:$0x1];
	s10 =	sor.u32 s2, s30  }
0x5: {  	s5 =	sadd.s32 $0x2800, s9;
	s2 =	simm.s32 $0x0;
	s3 =	sshrl.u32 s10, $0x3  }
0x6: {  	s11 =	ssub.s32 $0x2, s6;
	[smem:$0x7FF] =	sst s2;
	s3 =	sadd.s32 s3, s9  }
0x7: {  	_ =	strace $0x80000047;
	s4 =	sadd.s32 $0x2600, s3;
	s3 =	simm.s32 $0x2  }
0x8: {  	[tilespmem:s2], [sflag:$0x2] =	stream.linear.gather [hbm4b:s4+s2], $0x20, $0x38;
	[tilespmem:$0x1080] =	vst v63  }
0x9: {  	s6 =	simm.s32 $0x20;
	s12 =	sshrl.u32 s11, $0x1;
	_ =	swait.ge [sflag:s3], $0x20  }
0xa: {  	s10 =	sshll.u32 s10, $0x4;
	s31 =	ssub.s32 s11, s12;
	[sflag:s3] =	ssyncset.done $0x0  }
0xb: {  	s9 =	sadd.s32 s10, s9;
	s10 =	smax.u32 s31, $0x1;
	[sflag:s3] =	ssyncadd.s32 $0xFFFFFFE0  }
0xc: {  	[tilespmem:s7], [sflag:$0x1] =	stream.indirect.gather [hbm4b:s5+s6], $0x80, s2, s6, $0xb8;
	[tilespmem:$0x1080] =	vst v63  }
0xd: {  	p0 =	sne.s32 s10, $0x1;
	_ =	swait.ge [sflag:s8], $0x1000  }
.Ltmp0:
0xe: {  	[sflag:s8] =	ssyncset.done $0x0;
	(pc) =	sbr.rel @!p0 .LBB2_2-.Ltmp0, $4  }
0xf: {  	s9 =	sadd.s32 $0x26800, s9;
	[sflag:s8] =	ssyncadd.s32 $0xFFFFF000  }
0x10: {  	[hbm4b:s9+s2] =	stream.linear.scatter [tilespmem:s7], [sflag:$0x2], $0x1000, $0x38;
	[tilespmem:$0x1080] =	vst v63  }
0x11: {  	_ =	swait.ge [sflag:s3], $0x1000  }
0x12: {  	s10 =	sadd.s32 $0xFFFFFFFF, s10;
	[sflag:s3] =	ssyncset.done $0x0  }
.LBB2_1:
0x13: {  	p0 =	sne.s32 s10, $0x1;
	s10 =	sadd.s32 $0xFFFFFFFF, s10;
	[sflag:s3] =	ssyncadd.s32 $0xFFFFF000  }
0x14: {  	[tilespmem:s2], [sflag:$0x2] =	stream.linear.gather [hbm4b:s4+s2], $0x20, $0x38;
	[tilespmem:$0x1080] =	vst v63  }
0x15: {  	_ =	swait.ge [sflag:s3], $0x20  }
0x16: {  	[sflag:s3] =	ssyncset.done $0x0  }
0x17: {  	[sflag:s3] =	ssyncadd.s32 $0xFFFFFFE0  }
0x18: {  	[tilespmem:s7], [sflag:$0x1] =	stream.indirect.gather [hbm4b:s5+s6], $0x80, s2, s6, $0xb8;
	[tilespmem:$0x1080] =	vst v63  }
0x19: {  	_ =	swait.ge [sflag:s8], $0x1000  }
.Ltmp1:
0x1a: {  	[sflag:s8] =	ssyncset.done $0x0;
	(pc) =	sbr.rel @p0 .LBB2_1-.Ltmp1, $4  }
0x1b: {  	[sflag:s8] =	ssyncadd.s32 $0xFFFFF000  }
0x1c: {  	[hbm4b:s9+s2] =	stream.linear.scatter [tilespmem:s7], [sflag:$0x2], $0x1000, $0x38;
	[tilespmem:$0x1080] =	vst v63  }
0x1d: {  	_ =	swait.ge [sflag:s3], $0x1000  }
0x1e: {  	[sflag:s3] =	ssyncset.done $0x0  }
.LBB2_2:
0x1f: {  	[sflag:s3] =	ssyncadd.s32 $0xFFFFF000  }
0x20: {  	_ =	sfence.sel $0x180000  }
0x21: {  	[bflag:$0x0] =	sbarrier.arrive $0xFFFF  }
0x22: {  	p0 =	sne.s32 s0, $0x0;
	_ =	strace $0x90000047  }
0x23: {  	s0 =	sadd.s32 @!p0 $0x100000, s1;
	[bflag:$0x2] =	sbarrier.arrive $0xFFFF  }
0x24: {  	[sflag:s0] =	ssyncadd.tile.s32 @!p0 $0x1;
	_ =	shalt  }
.Lfunc_end2:
_tile_overlayer_lowered:
.L_overlay_start_2:
0x25: {  	(tag) =	ssettag $0x2  }
0x26: {  	s0 =	rddreg [dreg:$0x0];
	s2 =	stileid.u32  }
0x27: {  	s1 =	rddreg [dreg:$0x1];
	p0 =	sne.s32 s2, $0x0  }
0x28: {  	s3 =	rddreg [dreg:$0x2];
	[bflag:$0x3] =	sbarrier.arrive $0xFFFF;
	s2 =	simm.s32 @!p0 $0x1C02  }
0x29: {  	[timem:s3], [sflag:s2] =	dma.local @!p0 [hbm:s0], s1  }
0x2a: {  	s0 =	simm.s32 @!p0 $0x2  }
0x2b: {  	_ =	swait.ge @!p0 [sflag:s0], s1  }
0x2c: {  	s1 =	ssub.s32 @!p0 $0x0, s1;
	[sflag:s0] =	ssyncset.done @!p0 $0x0  }
0x2d: {  	[sflag:s0] =	ssyncadd.s32 @!p0 s1  }
0x2e: {  	[bflag:$0x3] =	sbarrier.arrive $0xFFFF  }
0x2f: {  	_ =	shalt  }

</sc_bundles>
